<compile_context>
chip_gen: v7x
topology: tpu7x:2x2x1
jax: 0.10.2.dev20260603
libtpu: 0.0.44.dev20260713+nightly
codegen_flags: <defaults>
</compile_context>

<pallas_src>
import functools

import jax
import jax.numpy as jnp
from jax import lax
from jax.experimental import pallas as pl
from jax.experimental.pallas import tpu as pltpu
from jax.experimental.pallas import tpu_sc as plsc

B = 16384
S = 50
DIM = 64
NUM_TOK = B * S
NC = 2
NS = 16
NW = NC * NS
PER_W = NUM_TOK // NW
BPW = B // NW
C = 400
CB = C // S
NCH = PER_W // C

_mesh = plsc.VectorSubcoreMesh(core_axis_name="c", subcore_axis_name="s")


@functools.partial(
    pl.kernel,
    mesh=_mesh,
    out_type=jax.ShapeDtypeStruct((B, S, DIM), jnp.float32),
    scratch_types=[
        pltpu.VMEM((PER_W,), jnp.int32),
        pltpu.VMEM((C, DIM), jnp.float32),
        pltpu.VMEM((C, DIM), jnp.float32),
        pltpu.SemaphoreType.DMA,
        pltpu.SemaphoreType.DMA,
        pltpu.SemaphoreType.DMA,
        pltpu.SemaphoreType.DMA,
    ],
    compiler_params=pltpu.CompilerParams(use_tc_tiling_on_sc=False),
)
def _gather(idx_hbm, table_hbm, out_hbm, idx_v, rows0, rows1,
            gsem0, gsem1, ssem0, ssem1):
    wid = lax.axis_index("s") * NC + lax.axis_index("c")
    ibase = wid * PER_W
    bbase = wid * BPW
    rows = (rows0, rows1)
    gsem = (gsem0, gsem1)
    ssem = (ssem0, ssem1)

    pltpu.sync_copy(idx_hbm.at[pl.ds(ibase, PER_W)], idx_v)

    def fire_gather(c, b):
        pltpu.async_copy(
            table_hbm.at[idx_v.at[pl.ds(c * C, C)]],
            rows[b], gsem[b])

    def drain_gather(b):
        pltpu.make_async_copy(
            table_hbm.at[pl.ds(0, C)], rows[b], gsem[b]).wait()

    def fire_stores(c, b):
        for k in range(CB):
            pltpu.async_copy(
                rows[b].at[pl.ds(k * S, S)],
                out_hbm.at[bbase + c * CB + k],
                ssem[b])

    def drain_stores(b):
        for k in range(CB):
            pltpu.make_async_copy(
                table_hbm.at[pl.ds(0, S)],
                rows[b].at[pl.ds(k * S, S)],
                ssem[b]).wait()

    def body(g, carry):
        for b in (0, 1):
            c = 2 * g + b
            @pl.when(g >= 1)
            def _():
                drain_stores(b)
            fire_gather(c, b)
        for b in (0, 1):
            c = 2 * g + b
            drain_gather(b)
            fire_stores(c, b)
        return carry

    lax.fori_loop(0, NCH // 2, body, 0)
    drain_stores(0)
    drain_stores(1)


def kernel(tokens_ids, embedding_tensor):
    flat = tokens_ids.reshape(-1).astype(jnp.int32)
    return _gather(flat, embedding_tensor)

# --- scband reference (transcript-rebuilt; emitter-appended) ---
"""Pipeline reference for scband-embedding-52544629899518 (READ-ONLY COPY).

The authoritative reference and input builder live on the scoring server;
editing this copy changes nothing except your own understanding.
"""

import jax, jax.numpy as jnp
import numpy as np

NUM_EMBEDDINGS = 1000000
EMBEDDING_DIM = 64

def setup_inputs(seed: int = 0) -> dict:
    key = jax.random.key(seed)
    k_idx, k_tab = jax.random.split(key)
    tokens_ids = jax.random.randint(k_idx, (16384, 50), 0, NUM_EMBEDDINGS, dtype=jnp.int64 if jax.config.jax_enable_x64 else jnp.int32)
    # trunc_normal init (mean 0, std 1, clipped to [-3, 3])
    embedding_tensor = jnp.clip(jax.random.truncated_normal(k_tab, -3.0, 3.0, (NUM_EMBEDDINGS, EMBEDDING_DIM), dtype=jnp.float32), -3.0, 3.0)
    return {"tokens_ids": tokens_ids, "embedding_tensor": embedding_tensor}

def reference(tokens_ids, embedding_tensor):
    # Faithful translation of: return self.embedding_tensor[tokens_ids]
    return jnp.take(embedding_tensor, tokens_ids, axis=0)

if __name__ == "__main__":
    import jax
    _d = setup_inputs()
    print(jax.jit(kernel)(*tuple(_d.values())))

</pallas_src>

<mosaic_0001>
#map = affine_map<(d0, d1) -> (0)>
#map1 = affine_map<(d0, d1) -> (0, 0)>
#map2 = affine_map<(d0, d1) -> (0, 0, 0)>
module attributes {stable_mosaic.version = 14 : i64} {
  func.func @_gather(%arg0: i32, %arg1: i32, %arg2: memref<819200xi32, #tpu.memory_space<hbm>>, %arg3: memref<1000000x64xf32, #tpu.memory_space<hbm>>, %arg4: memref<16384x50x64xf32, #tpu.memory_space<hbm>>, %arg5: memref<25600xi32, #tpu.memory_space<vmem>>, %arg6: memref<400x64xf32, #tpu.memory_space<vmem>>, %arg7: memref<400x64xf32, #tpu.memory_space<vmem>>, %arg8: memref<!tpu.dma_semaphore, #tpu.memory_space<semaphore_mem>>, %arg9: memref<!tpu.dma_semaphore, #tpu.memory_space<semaphore_mem>>, %arg10: memref<!tpu.dma_semaphore, #tpu.memory_space<semaphore_mem>>, %arg11: memref<!tpu.dma_semaphore, #tpu.memory_space<semaphore_mem>>) attributes {dimension_semantics = [#tpu.dimension_semantics<core_parallel>, #tpu.dimension_semantics<subcore_parallel>], iteration_bounds = array<i64: 2, 16>, scalar_prefetch = 0 : i64, scratch_operands = 7 : i64, tpu.core_type = #tpu.core_type<sc_vector_subcore>, window_params = [{transform_indices = #map}, {transform_indices = #map1}, {transform_indices = #map2}]} {
    %mul3A = arith.constant 2 : i32
    %mul3A_0 = arith.muli %arg1, %mul3A : i32
    %add3A = arith.addi %mul3A_0, %arg0 : i32
    %mul3A_1 = arith.constant 25600 : i32
    %mul3A_2 = arith.muli %add3A, %mul3A_1 : i32
    %mul3A_3 = arith.constant 512 : i32
    %mul3A_4 = arith.muli %add3A, %mul3A_3 : i32
    "tpu.region"() ({
      %run_scoped3A = tpu.sem_alloc : memref<!tpu.dma_semaphore, #tpu.memory_space<semaphore_mem>>
      %dma_start3A = tpu.memref_slice %arg2[%mul3A_2] : memref<819200xi32, #tpu.memory_space<hbm>> -> memref<25600xi32, #tpu.memory_space<hbm>>
      %dma_start3A_201 = tpu.memref_slice %arg2[%mul3A_2] : memref<819200xi32, #tpu.memory_space<hbm>> -> memref<25600xi32, #tpu.memory_space<hbm>>
      tpu.enqueue_dma source(%dma_start3A_201 : memref<25600xi32, #tpu.memory_space<hbm>>) target(%arg5 : memref<25600xi32, #tpu.memory_space<vmem>>) target_semaphore(%run_scoped3A : memref<!tpu.dma_semaphore, #tpu.memory_space<semaphore_mem>>)
      %dma_wait3A_202 = tpu.memref_slice %arg2[%mul3A_2] : memref<819200xi32, #tpu.memory_space<hbm>> -> memref<25600xi32, #tpu.memory_space<hbm>>
      %dma_wait3A_203 = tpu.memref_slice %arg2[%mul3A_2] : memref<819200xi32, #tpu.memory_space<hbm>> -> memref<25600xi32, #tpu.memory_space<hbm>>
      tpu.wait_dma2 semaphore(%run_scoped3A : memref<!tpu.dma_semaphore, #tpu.memory_space<semaphore_mem>>) src(%dma_wait3A_203 : memref<25600xi32, #tpu.memory_space<hbm>>) dst(%arg5 : memref<25600xi32, #tpu.memory_space<vmem>>)
      tpu.yield
    }) : () -> ()
    %scan3A = arith.constant 0 : i32
    %scan3A_5 = arith.constant 0 : i32
    %scan3A_6 = arith.constant 32 : i32
    %scan3A_7 = arith.addi %scan3A_5, %scan3A_6 : i32
    %scan3A_8 = arith.constant 1 : i32
    scf.for %scan3A_201 = %scan3A_5 to %scan3A_7 step %scan3A_8  : i32 {
      %mul3A_202 = arith.constant 2 : i32
      %mul3A_203 = arith.muli %mul3A_202, %scan3A_201 : i32
      %add3A_204 = arith.constant 0 : i32
      %add3A_205 = arith.addi %mul3A_203, %add3A_204 : i32
      %ge3A = arith.constant 1 : i32
      %ge3A_206 = arith.cmpi sge, %scan3A_201, %ge3A : i32
      %convert_element_type3A = arith.extui %ge3A_206 : i1 to i32
      %cond3A = arith.constant 0 : i32
      %cond3A_207 = arith.cmpi ne, %convert_element_type3A, %cond3A : i32
      scf.if %cond3A_207 {
        %dma_wait3A_552 = arith.constant 0 : i32
        %dma_wait3A_553 = arith.constant 0 : i32
        %dma_wait3A_554 = tpu.memref_slice %arg6[%dma_wait3A_552, %dma_wait3A_553] : memref<400x64xf32, #tpu.memory_space<vmem>> -> memref<50x64xf32, #tpu.memory_space<vmem>>
        %dma_wait3A_555 = arith.constant 0 : i32
        %dma_wait3A_556 = arith.constant 0 : i32
        %dma_wait3A_557 = tpu.memref_slice %arg3[%dma_wait3A_555, %dma_wait3A_556] : memref<1000000x64xf32, #tpu.memory_space<hbm>> -> memref<50x64xf32, #tpu.memory_space<hbm>>
        %dma_wait3A_558 = arith.constant 0 : i32
        %dma_wait3A_559 = arith.constant 0 : i32
        %dma_wait3A_560 = tpu.memref_slice %arg6[%dma_wait3A_558, %dma_wait3A_559] : memref<400x64xf32, #tpu.memory_space<vmem>> -> memref<50x64xf32, #tpu.memory_space<vmem>>
        %dma_wait3A_561 = arith.constant 0 : i32
        %dma_wait3A_562 = arith.constant 0 : i32
        %dma_wait3A_563 = tpu.memref_slice %arg3[%dma_wait3A_561, %dma_wait3A_562] : memref<1000000x64xf32, #tpu.memory_space<hbm>> -> memref<50x64xf32, #tpu.memory_space<hbm>>
        tpu.wait_dma2 semaphore(%arg10 : memref<!tpu.dma_semaphore, #tpu.memory_space<semaphore_mem>>) src(%dma_wait3A_563 : memref<50x64xf32, #tpu.memory_space<hbm>>) dst(%dma_wait3A_560 : memref<50x64xf32, #tpu.memory_space<vmem>>)
        %dma_wait3A_564 = arith.constant 50 : i32
        %dma_wait3A_565 = arith.constant 0 : i32
        %dma_wait3A_566 = tpu.memref_slice %arg6[%dma_wait3A_564, %dma_wait3A_565] : memref<400x64xf32, #tpu.memory_space<vmem>> -> memref<50x64xf32, #tpu.memory_space<vmem>>
        %dma_wait3A_567 = arith.constant 0 : i32
        %dma_wait3A_568 = arith.constant 0 : i32
        %dma_wait3A_569 = tpu.memref_slice %arg3[%dma_wait3A_567, %dma_wait3A_568] : memref<1000000x64xf32, #tpu.memory_space<hbm>> -> memref<50x64xf32, #tpu.memory_space<hbm>>
        %dma_wait3A_570 = arith.constant 50 : i32
        %dma_wait3A_571 = arith.constant 0 : i32
        %dma_wait3A_572 = tpu.memref_slice %arg6[%dma_wait3A_570, %dma_wait3A_571] : memref<400x64xf32, #tpu.memory_space<vmem>> -> memref<50x64xf32, #tpu.memory_space<vmem>>
        %dma_wait3A_573 = arith.constant 0 : i32
        %dma_wait3A_574 = arith.constant 0 : i32
        %dma_wait3A_575 = tpu.memref_slice %arg3[%dma_wait3A_573, %dma_wait3A_574] : memref<1000000x64xf32, #tpu.memory_space<hbm>> -> memref<50x64xf32, #tpu.memory_space<hbm>>
        tpu.wait_dma2 semaphore(%arg10 : memref<!tpu.dma_semaphore, #tpu.memory_space<semaphore_mem>>) src(%dma_wait3A_575 : memref<50x64xf32, #tpu.memory_space<hbm>>) dst(%dma_wait3A_572 : memref<50x64xf32, #tpu.memory_space<vmem>>)
        %dma_wait3A_576 = arith.constant 100 : i32
        %dma_wait3A_577 = arith.constant 0 : i32
        %dma_wait3A_578 = tpu.memref_slice %arg6[%dma_wait3A_576, %dma_wait3A_577] : memref<400x64xf32, #tpu.memory_space<vmem>> -> memref<50x64xf32, #tpu.memory_space<vmem>>
        %dma_wait3A_579 = arith.constant 0 : i32
        %dma_wait3A_580 = arith.constant 0 : i32
        %dma_wait3A_581 = tpu.memref_slice %arg3[%dma_wait3A_579, %dma_wait3A_580] : memref<1000000x64xf32, #tpu.memory_space<hbm>> -> memref<50x64xf32, #tpu.memory_space<hbm>>
        %dma_wait3A_582 = arith.constant 100 : i32
        %dma_wait3A_583 = arith.constant 0 : i32
        %dma_wait3A_584 = tpu.memref_slice %arg6[%dma_wait3A_582, %dma_wait3A_583] : memref<400x64xf32, #tpu.memory_space<vmem>> -> memref<50x64xf32, #tpu.memory_space<vmem>>
        %dma_wait3A_585 = arith.constant 0 : i32
        %dma_wait3A_586 = arith.constant 0 : i32
        %dma_wait3A_587 = tpu.memref_slice %arg3[%dma_wait3A_585, %dma_wait3A_586] : memref<1000000x64xf32, #tpu.memory_space<hbm>> -> memref<50x64xf32, #tpu.memory_space<hbm>>
        tpu.wait_dma2 semaphore(%arg10 : memref<!tpu.dma_semaphore, #tpu.memory_space<semaphore_mem>>) src(%dma_wait3A_587 : memref<50x64xf32, #tpu.memory_space<hbm>>) dst(%dma_wait3A_584 : memref<50x64xf32, #tpu.memory_space<vmem>>)
        %dma_wait3A_588 = arith.constant 150 : i32
        %dma_wait3A_589 = arith.constant 0 : i32
        %dma_wait3A_590 = tpu.memref_slice %arg6[%dma_wait3A_588, %dma_wait3A_589] : memref<400x64xf32, #tpu.memory_space<vmem>> -> memref<50x64xf32, #tpu.memory_space<vmem>>
        %dma_wait3A_591 = arith.constant 0 : i32
        %dma_wait3A_592 = arith.constant 0 : i32
        %dma_wait3A_593 = tpu.memref_slice %arg3[%dma_wait3A_591, %dma_wait3A_592] : memref<1000000x64xf32, #tpu.memory_space<hbm>> -> memref<50x64xf32, #tpu.memory_space<hbm>>
        %dma_wait3A_594 = arith.constant 150 : i32
        %dma_wait3A_595 = arith.constant 0 : i32
        %dma_wait3A_596 = tpu.memref_slice %arg6[%dma_wait3A_594, %dma_wait3A_595] : memref<400x64xf32, #tpu.memory_space<vmem>> -> memref<50x64xf32, #tpu.memory_space<vmem>>
        %dma_wait3A_597 = arith.constant 0 : i32
        %dma_wait3A_598 = arith.constant 0 : i32
        %dma_wait3A_599 = tpu.memref_slice %arg3[%dma_wait3A_597, %dma_wait3A_598] : memref<1000000x64xf32, #tpu.memory_space<hbm>> -> memref<50x64xf32, #tpu.memory_space<hbm>>
        tpu.wait_dma2 semaphore(%arg10 : memref<!tpu.dma_semaphore, #tpu.memory_space<semaphore_mem>>) src(%dma_wait3A_599 : memref<50x64xf32, #tpu.memory_space<hbm>>) dst(%dma_wait3A_596 : memref<50x64xf32, #tpu.memory_space<vmem>>)
        %dma_wait3A_600 = arith.constant 200 : i32
        %dma_wait3A_601 = arith.constant 0 : i32
        %dma_wait3A_602 = tpu.memref_slice %arg6[%dma_wait3A_600, %dma_wait3A_601] : memref<400x64xf32, #tpu.memory_space<vmem>> -> memref<50x64xf32, #tpu.memory_space<vmem>>
        %dma_wait3A_603 = arith.constant 0 : i32
        %dma_wait3A_604 = arith.constant 0 : i32
        %dma_wait3A_605 = tpu.memref_slice %arg3[%dma_wait3A_603, %dma_wait3A_604] : memref<1000000x64xf32, #tpu.memory_space<hbm>> -> memref<50x64xf32, #tpu.memory_space<hbm>>
        %dma_wait3A_606 = arith.constant 200 : i32
        %dma_wait3A_607 = arith.constant 0 : i32
        %dma_wait3A_608 = tpu.memref_slice %arg6[%dma_wait3A_606, %dma_wait3A_607] : memref<400x64xf32, #tpu.memory_space<vmem>> -> memref<50x64xf32, #tpu.memory_space<vmem>>
        %dma_wait3A_609 = arith.constant 0 : i32
        %dma_wait3A_610 = arith.constant 0 : i32
        %dma_wait3A_611 = tpu.memref_slice %arg3[%dma_wait3A_609, %dma_wait3A_610] : memref<1000000x64xf32, #tpu.memory_space<hbm>> -> memref<50x64xf32, #tpu.memory_space<hbm>>
        tpu.wait_dma2 semaphore(%arg10 : memref<!tpu.dma_semaphore, #tpu.memory_space<semaphore_mem>>) src(%dma_wait3A_611 : memref<50x64xf32, #tpu.memory_space<hbm>>) dst(%dma_wait3A_608 : memref<50x64xf32, #tpu.memory_space<vmem>>)
        %dma_wait3A_612 = arith.constant 250 : i32
        %dma_wait3A_613 = arith.constant 0 : i32
        %dma_wait3A_614 = tpu.memref_slice %arg6[%dma_wait3A_612, %dma_wait3A_613] : memref<400x64xf32, #tpu.memory_space<vmem>> -> memref<50x64xf32, #tpu.memory_space<vmem>>
        %dma_wait3A_615 = arith.constant 0 : i32
        %dma_wait3A_616 = arith.constant 0 : i32
        %dma_wait3A_617 = tpu.memref_slice %arg3[%dma_wait3A_615, %dma_wait3A_616] : memref<1000000x64xf32, #tpu.memory_space<hbm>> -> memref<50x64xf32, #tpu.memory_space<hbm>>
        %dma_wait3A_618 = arith.constant 250 : i32
        %dma_wait3A_619 = arith.constant 0 : i32
        %dma_wait3A_620 = tpu.memref_slice %arg6[%dma_wait3A_618, %dma_wait3A_619] : memref<400x64xf32, #tpu.memory_space<vmem>> -> memref<50x64xf32, #tpu.memory_space<vmem>>
        %dma_wait3A_621 = arith.constant 0 : i32
        %dma_wait3A_622 = arith.constant 0 : i32
        %dma_wait3A_623 = tpu.memref_slice %arg3[%dma_wait3A_621, %dma_wait3A_622] : memref<1000000x64xf32, #tpu.memory_space<hbm>> -> memref<50x64xf32, #tpu.memory_space<hbm>>
        tpu.wait_dma2 semaphore(%arg10 : memref<!tpu.dma_semaphore, #tpu.memory_space<semaphore_mem>>) src(%dma_wait3A_623 : memref<50x64xf32, #tpu.memory_space<hbm>>) dst(%dma_wait3A_620 : memref<50x64xf32, #tpu.memory_space<vmem>>)
        %dma_wait3A_624 = arith.constant 300 : i32
        %dma_wait3A_625 = arith.constant 0 : i32
        %dma_wait3A_626 = tpu.memref_slice %arg6[%dma_wait3A_624, %dma_wait3A_625] : memref<400x64xf32, #tpu.memory_space<vmem>> -> memref<50x64xf32, #tpu.memory_space<vmem>>
        %dma_wait3A_627 = arith.constant 0 : i32
        %dma_wait3A_628 = arith.constant 0 : i32
        %dma_wait3A_629 = tpu.memref_slice %arg3[%dma_wait3A_627, %dma_wait3A_628] : memref<1000000x64xf32, #tpu.memory_space<hbm>> -> memref<50x64xf32, #tpu.memory_space<hbm>>
        %dma_wait3A_630 = arith.constant 300 : i32
        %dma_wait3A_631 = arith.constant 0 : i32
        %dma_wait3A_632 = tpu.memref_slice %arg6[%dma_wait3A_630, %dma_wait3A_631] : memref<400x64xf32, #tpu.memory_space<vmem>> -> memref<50x64xf32, #tpu.memory_space<vmem>>
        %dma_wait3A_633 = arith.constant 0 : i32
        %dma_wait3A_634 = arith.constant 0 : i32
        %dma_wait3A_635 = tpu.memref_slice %arg3[%dma_wait3A_633, %dma_wait3A_634] : memref<1000000x64xf32, #tpu.memory_space<hbm>> -> memref<50x64xf32, #tpu.memory_space<hbm>>
        tpu.wait_dma2 semaphore(%arg10 : memref<!tpu.dma_semaphore, #tpu.memory_space<semaphore_mem>>) src(%dma_wait3A_635 : memref<50x64xf32, #tpu.memory_space<hbm>>) dst(%dma_wait3A_632 : memref<50x64xf32, #tpu.memory_space<vmem>>)
        %dma_wait3A_636 = arith.constant 350 : i32
        %dma_wait3A_637 = arith.constant 0 : i32
        %dma_wait3A_638 = tpu.memref_slice %arg6[%dma_wait3A_636, %dma_wait3A_637] : memref<400x64xf32, #tpu.memory_space<vmem>> -> memref<50x64xf32, #tpu.memory_space<vmem>>
        %dma_wait3A_639 = arith.constant 0 : i32
        %dma_wait3A_640 = arith.constant 0 : i32
        %dma_wait3A_641 = tpu.memref_slice %arg3[%dma_wait3A_639, %dma_wait3A_640] : memref<1000000x64xf32, #tpu.memory_space<hbm>> -> memref<50x64xf32, #tpu.memory_space<hbm>>
        %dma_wait3A_642 = arith.constant 350 : i32
        %dma_wait3A_643 = arith.constant 0 : i32
        %dma_wait3A_644 = tpu.memref_slice %arg6[%dma_wait3A_642, %dma_wait3A_643] : memref<400x64xf32, #tpu.memory_space<vmem>> -> memref<50x64xf32, #tpu.memory_space<vmem>>
        %dma_wait3A_645 = arith.constant 0 : i32
        %dma_wait3A_646 = arith.constant 0 : i32
        %dma_wait3A_647 = tpu.memref_slice %arg3[%dma_wait3A_645, %dma_wait3A_646] : memref<1000000x64xf32, #tpu.memory_space<hbm>> -> memref<50x64xf32, #tpu.memory_space<hbm>>
        tpu.wait_dma2 semaphore(%arg10 : memref<!tpu.dma_semaphore, #tpu.memory_space<semaphore_mem>>) src(%dma_wait3A_647 : memref<50x64xf32, #tpu.memory_space<hbm>>) dst(%dma_wait3A_644 : memref<50x64xf32, #tpu.memory_space<vmem>>)
      } else {
      }
      %mul3A_208 = arith.constant 400 : i32
      %mul3A_209 = arith.muli %add3A_205, %mul3A_208 : i32
      %dma_start3A = tpu.memref_slice %arg5[%mul3A_209] : memref<25600xi32, #tpu.memory_space<vmem>> -> memref<400xi32, #tpu.memory_space<vmem>>
      %dma_start3A_210 = arith.constant 0 : i32
      %dma_start3A_211 = arith.constant 0 : i32
      %dma_start3A_212 = tpu.memref_slice %arg3[%dma_start3A_210, %dma_start3A_211] : memref<1000000x64xf32, #tpu.memory_space<hbm>> -> memref<1000000x64xf32, #tpu.memory_space<hbm>>
      tpu.enqueue_indirect_dma source(%dma_start3A_212 : memref<1000000x64xf32, #tpu.memory_space<hbm>>) target(%arg6 : memref<400x64xf32, #tpu.memory_space<vmem>>) offsets(%dma_start3A : memref<400xi32, #tpu.memory_space<vmem>>) semaphore(%arg8 : memref<!tpu.dma_semaphore, #tpu.memory_space<semaphore_mem>>)
      %mul3A_213 = arith.constant 2 : i32
      %mul3A_214 = arith.muli %mul3A_213, %scan3A_201 : i32
      %add3A_215 = arith.constant 1 : i32
      %add3A_216 = arith.addi %mul3A_214, %add3A_215 : i32
      %ge3A_217 = arith.constant 1 : i32
      %ge3A_218 = arith.cmpi sge, %scan3A_201, %ge3A_217 : i32
      %convert_element_type3A_219 = arith.extui %ge3A_218 : i1 to i32
      %cond3A_220 = arith.constant 0 : i32
      %cond3A_221 = arith.cmpi ne, %convert_element_type3A_219, %cond3A_220 : i32
      scf.if %cond3A_221 {
        %dma_wait3A_552 = arith.constant 0 : i32
        %dma_wait3A_553 = arith.constant 0 : i32
        %dma_wait3A_554 = tpu.memref_slice %arg7[%dma_wait3A_552, %dma_wait3A_553] : memref<400x64xf32, #tpu.memory_space<vmem>> -> memref<50x64xf32, #tpu.memory_space<vmem>>
        %dma_wait3A_555 = arith.constant 0 : i32
        %dma_wait3A_556 = arith.constant 0 : i32
        %dma_wait3A_557 = tpu.memref_slice %arg3[%dma_wait3A_555, %dma_wait3A_556] : memref<1000000x64xf32, #tpu.memory_space<hbm>> -> memref<50x64xf32, #tpu.memory_space<hbm>>
        %dma_wait3A_558 = arith.constant 0 : i32
        %dma_wait3A_559 = arith.constant 0 : i32
        %dma_wait3A_560 = tpu.memref_slice %arg7[%dma_wait3A_558, %dma_wait3A_559] : memref<400x64xf32, #tpu.memory_space<vmem>> -> memref<50x64xf32, #tpu.memory_space<vmem>>
        %dma_wait3A_561 = arith.constant 0 : i32
        %dma_wait3A_562 = arith.constant 0 : i32
        %dma_wait3A_563 = tpu.memref_slice %arg3[%dma_wait3A_561, %dma_wait3A_562] : memref<1000000x64xf32, #tpu.memory_space<hbm>> -> memref<50x64xf32, #tpu.memory_space<hbm>>
        tpu.wait_dma2 semaphore(%arg11 : memref<!tpu.dma_semaphore, #tpu.memory_space<semaphore_mem>>) src(%dma_wait3A_563 : memref<50x64xf32, #tpu.memory_space<hbm>>) dst(%dma_wait3A_560 : memref<50x64xf32, #tpu.memory_space<vmem>>)
        %dma_wait3A_564 = arith.constant 50 : i32
        %dma_wait3A_565 = arith.constant 0 : i32
        %dma_wait3A_566 = tpu.memref_slice %arg7[%dma_wait3A_564, %dma_wait3A_565] : memref<400x64xf32, #tpu.memory_space<vmem>> -> memref<50x64xf32, #tpu.memory_space<vmem>>
        %dma_wait3A_567 = arith.constant 0 : i32
        %dma_wait3A_568 = arith.constant 0 : i32
        %dma_wait3A_569 = tpu.memref_slice %arg3[%dma_wait3A_567, %dma_wait3A_568] : memref<1000000x64xf32, #tpu.memory_space<hbm>> -> memref<50x64xf32, #tpu.memory_space<hbm>>
        %dma_wait3A_570 = arith.constant 50 : i32
        %dma_wait3A_571 = arith.constant 0 : i32
        %dma_wait3A_572 = tpu.memref_slice %arg7[%dma_wait3A_570, %dma_wait3A_571] : memref<400x64xf32, #tpu.memory_space<vmem>> -> memref<50x64xf32, #tpu.memory_space<vmem>>
        %dma_wait3A_573 = arith.constant 0 : i32
        %dma_wait3A_574 = arith.constant 0 : i32
        %dma_wait3A_575 = tpu.memref_slice %arg3[%dma_wait3A_573, %dma_wait3A_574] : memref<1000000x64xf32, #tpu.memory_space<hbm>> -> memref<50x64xf32, #tpu.memory_space<hbm>>
        tpu.wait_dma2 semaphore(%arg11 : memref<!tpu.dma_semaphore, #tpu.memory_space<semaphore_mem>>) src(%dma_wait3A_575 : memref<50x64xf32, #tpu.memory_space<hbm>>) dst(%dma_wait3A_572 : memref<50x64xf32, #tpu.memory_space<vmem>>)
        %dma_wait3A_576 = arith.constant 100 : i32
        %dma_wait3A_577 = arith.constant 0 : i32
        %dma_wait3A_578 = tpu.memref_slice %arg7[%dma_wait3A_576, %dma_wait3A_577] : memref<400x64xf32, #tpu.memory_space<vmem>> -> memref<50x64xf32, #tpu.memory_space<vmem>>
        %dma_wait3A_579 = arith.constant 0 : i32
        %dma_wait3A_580 = arith.constant 0 : i32
        %dma_wait3A_581 = tpu.memref_slice %arg3[%dma_wait3A_579, %dma_wait3A_580] : memref<1000000x64xf32, #tpu.memory_space<hbm>> -> memref<50x64xf32, #tpu.memory_space<hbm>>
        %dma_wait3A_582 = arith.constant 100 : i32
        %dma_wait3A_583 = arith.constant 0 : i32
        %dma_wait3A_584 = tpu.memref_slice %arg7[%dma_wait3A_582, %dma_wait3A_583] : memref<400x64xf32, #tpu.memory_space<vmem>> -> memref<50x64xf32, #tpu.memory_space<vmem>>
        %dma_wait3A_585 = arith.constant 0 : i32
        %dma_wait3A_586 = arith.constant 0 : i32
        %dma_wait3A_587 = tpu.memref_slice %arg3[%dma_wait3A_585, %dma_wait3A_586] : memref<1000000x64xf32, #tpu.memory_space<hbm>> -> memref<50x64xf32, #tpu.memory_space<hbm>>
        tpu.wait_dma2 semaphore(%arg11 : memref<!tpu.dma_semaphore, #tpu.memory_space<semaphore_mem>>) src(%dma_wait3A_587 : memref<50x64xf32, #tpu.memory_space<hbm>>) dst(%dma_wait3A_584 : memref<50x64xf32, #tpu.memory_space<vmem>>)
        %dma_wait3A_588 = arith.constant 150 : i32
        %dma_wait3A_589 = arith.constant 0 : i32
        %dma_wait3A_590 = tpu.memref_slice %arg7[%dma_wait3A_588, %dma_wait3A_589] : memref<400x64xf32, #tpu.memory_space<vmem>> -> memref<50x64xf32, #tpu.memory_space<vmem>>
        %dma_wait3A_591 = arith.constant 0 : i32
        %dma_wait3A_592 = arith.constant 0 : i32
        %dma_wait3A_593 = tpu.memref_slice %arg3[%dma_wait3A_591, %dma_wait3A_592] : memref<1000000x64xf32, #tpu.memory_space<hbm>> -> memref<50x64xf32, #tpu.memory_space<hbm>>
        %dma_wait3A_594 = arith.constant 150 : i32
        %dma_wait3A_595 = arith.constant 0 : i32
        %dma_wait3A_596 = tpu.memref_slice %arg7[%dma_wait3A_594, %dma_wait3A_595] : memref<400x64xf32, #tpu.memory_space<vmem>> -> memref<50x64xf32, #tpu.memory_space<vmem>>
        %dma_wait3A_597 = arith.constant 0 : i32
        %dma_wait3A_598 = arith.constant 0 : i32
        %dma_wait3A_599 = tpu.memref_slice %arg3[%dma_wait3A_597, %dma_wait3A_598] : memref<1000000x64xf32, #tpu.memory_space<hbm>> -> memref<50x64xf32, #tpu.memory_space<hbm>>
        tpu.wait_dma2 semaphore(%arg11 : memref<!tpu.dma_semaphore, #tpu.memory_space<semaphore_mem>>) src(%dma_wait3A_599 : memref<50x64xf32, #tpu.memory_space<hbm>>) dst(%dma_wait3A_596 : memref<50x64xf32, #tpu.memory_space<vmem>>)
        %dma_wait3A_600 = arith.constant 200 : i32
        %dma_wait3A_601 = arith.constant 0 : i32
        %dma_wait3A_602 = tpu.memref_slice %arg7[%dma_wait3A_600, %dma_wait3A_601] : memref<400x64xf32, #tpu.memory_space<vmem>> -> memref<50x64xf32, #tpu.memory_space<vmem>>
        %dma_wait3A_603 = arith.constant 0 : i32
        %dma_wait3A_604 = arith.constant 0 : i32
        %dma_wait3A_605 = tpu.memref_slice %arg3[%dma_wait3A_603, %dma_wait3A_604] : memref<1000000x64xf32, #tpu.memory_space<hbm>> -> memref<50x64xf32, #tpu.memory_space<hbm>>
        %dma_wait3A_606 = arith.constant 200 : i32
        %dma_wait3A_607 = arith.constant 0 : i32
        %dma_wait3A_608 = tpu.memref_slice %arg7[%dma_wait3A_606, %dma_wait3A_607] : memref<400x64xf32, #tpu.memory_space<vmem>> -> memref<50x64xf32, #tpu.memory_space<vmem>>
        %dma_wait3A_609 = arith.constant 0 : i32
        %dma_wait3A_610 = arith.constant 0 : i32
        %dma_wait3A_611 = tpu.memref_slice %arg3[%dma_wait3A_609, %dma_wait3A_610] : memref<1000000x64xf32, #tpu.memory_space<hbm>> -> memref<50x64xf32, #tpu.memory_space<hbm>>
        tpu.wait_dma2 semaphore(%arg11 : memref<!tpu.dma_semaphore, #tpu.memory_space<semaphore_mem>>) src(%dma_wait3A_611 : memref<50x64xf32, #tpu.memory_space<hbm>>) dst(%dma_wait3A_608 : memref<50x64xf32, #tpu.memory_space<vmem>>)
        %dma_wait3A_612 = arith.constant 250 : i32
        %dma_wait3A_613 = arith.constant 0 : i32
        %dma_wait3A_614 = tpu.memref_slice %arg7[%dma_wait3A_612, %dma_wait3A_613] : memref<400x64xf32, #tpu.memory_space<vmem>> -> memref<50x64xf32, #tpu.memory_space<vmem>>
        %dma_wait3A_615 = arith.constant 0 : i32
        %dma_wait3A_616 = arith.constant 0 : i32
        %dma_wait3A_617 = tpu.memref_slice %arg3[%dma_wait3A_615, %dma_wait3A_616] : memref<1000000x64xf32, #tpu.memory_space<hbm>> -> memref<50x64xf32, #tpu.memory_space<hbm>>
        %dma_wait3A_618 = arith.constant 250 : i32
        %dma_wait3A_619 = arith.constant 0 : i32
        %dma_wait3A_620 = tpu.memref_slice %arg7[%dma_wait3A_618, %dma_wait3A_619] : memref<400x64xf32, #tpu.memory_space<vmem>> -> memref<50x64xf32, #tpu.memory_space<vmem>>
        %dma_wait3A_621 = arith.constant 0 : i32
        %dma_wait3A_622 = arith.constant 0 : i32
        %dma_wait3A_623 = tpu.memref_slice %arg3[%dma_wait3A_621, %dma_wait3A_622] : memref<1000000x64xf32, #tpu.memory_space<hbm>> -> memref<50x64xf32, #tpu.memory_space<hbm>>
        tpu.wait_dma2 semaphore(%arg11 : memref<!tpu.dma_semaphore, #tpu.memory_space<semaphore_mem>>) src(%dma_wait3A_623 : memref<50x64xf32, #tpu.memory_space<hbm>>) dst(%dma_wait3A_620 : memref<50x64xf32, #tpu.memory_space<vmem>>)
        %dma_wait3A_624 = arith.constant 300 : i32
        %dma_wait3A_625 = arith.constant 0 : i32
        %dma_wait3A_626 = tpu.memref_slice %arg7[%dma_wait3A_624, %dma_wait3A_625] : memref<400x64xf32, #tpu.memory_space<vmem>> -> memref<50x64xf32, #tpu.memory_space<vmem>>
        %dma_wait3A_627 = arith.constant 0 : i32
        %dma_wait3A_628 = arith.constant 0 : i32
        %dma_wait3A_629 = tpu.memref_slice %arg3[%dma_wait3A_627, %dma_wait3A_628] : memref<1000000x64xf32, #tpu.memory_space<hbm>> -> memref<50x64xf32, #tpu.memory_space<hbm>>
        %dma_wait3A_630 = arith.constant 300 : i32
        %dma_wait3A_631 = arith.constant 0 : i32
        %dma_wait3A_632 = tpu.memref_slice %arg7[%dma_wait3A_630, %dma_wait3A_631] : memref<400x64xf32, #tpu.memory_space<vmem>> -> memref<50x64xf32, #tpu.memory_space<vmem>>
        %dma_wait3A_633 = arith.constant 0 : i32
        %dma_wait3A_634 = arith.constant 0 : i32
        %dma_wait3A_635 = tpu.memref_slice %arg3[%dma_wait3A_633, %dma_wait3A_634] : memref<1000000x64xf32, #tpu.memory_space<hbm>> -> memref<50x64xf32, #tpu.memory_space<hbm>>
        tpu.wait_dma2 semaphore(%arg11 : memref<!tpu.dma_semaphore, #tpu.memory_space<semaphore_mem>>) src(%dma_wait3A_635 : memref<50x64xf32, #tpu.memory_space<hbm>>) dst(%dma_wait3A_632 : memref<50x64xf32, #tpu.memory_space<vmem>>)
        %dma_wait3A_636 = arith.constant 350 : i32
        %dma_wait3A_637 = arith.constant 0 : i32
        %dma_wait3A_638 = tpu.memref_slice %arg7[%dma_wait3A_636, %dma_wait3A_637] : memref<400x64xf32, #tpu.memory_space<vmem>> -> memref<50x64xf32, #tpu.memory_space<vmem>>
        %dma_wait3A_639 = arith.constant 0 : i32
        %dma_wait3A_640 = arith.constant 0 : i32
        %dma_wait3A_641 = tpu.memref_slice %arg3[%dma_wait3A_639, %dma_wait3A_640] : memref<1000000x64xf32, #tpu.memory_space<hbm>> -> memref<50x64xf32, #tpu.memory_space<hbm>>
        %dma_wait3A_642 = arith.constant 350 : i32
        %dma_wait3A_643 = arith.constant 0 : i32
        %dma_wait3A_644 = tpu.memref_slice %arg7[%dma_wait3A_642, %dma_wait3A_643] : memref<400x64xf32, #tpu.memory_space<vmem>> -> memref<50x64xf32, #tpu.memory_space<vmem>>
        %dma_wait3A_645 = arith.constant 0 : i32
        %dma_wait3A_646 = arith.constant 0 : i32
        %dma_wait3A_647 = tpu.memref_slice %arg3[%dma_wait3A_645, %dma_wait3A_646] : memref<1000000x64xf32, #tpu.memory_space<hbm>> -> memref<50x64xf32, #tpu.memory_space<hbm>>
        tpu.wait_dma2 semaphore(%arg11 : memref<!tpu.dma_semaphore, #tpu.memory_space<semaphore_mem>>) src(%dma_wait3A_647 : memref<50x64xf32, #tpu.memory_space<hbm>>) dst(%dma_wait3A_644 : memref<50x64xf32, #tpu.memory_space<vmem>>)
      } else {
      }
      %mul3A_222 = arith.constant 400 : i32
      %mul3A_223 = arith.muli %add3A_216, %mul3A_222 : i32
      %dma_start3A_224 = tpu.memref_slice %arg5[%mul3A_223] : memref<25600xi32, #tpu.memory_space<vmem>> -> memref<400xi32, #tpu.memory_space<vmem>>
      %dma_start3A_225 = arith.constant 0 : i32
      %dma_start3A_226 = arith.constant 0 : i32
      %dma_start3A_227 = tpu.memref_slice %arg3[%dma_start3A_225, %dma_start3A_226] : memref<1000000x64xf32, #tpu.memory_space<hbm>> -> memref<1000000x64xf32, #tpu.memory_space<hbm>>
      tpu.enqueue_indirect_dma source(%dma_start3A_227 : memref<1000000x64xf32, #tpu.memory_space<hbm>>) target(%arg7 : memref<400x64xf32, #tpu.memory_space<vmem>>) offsets(%dma_start3A_224 : memref<400xi32, #tpu.memory_space<vmem>>) semaphore(%arg9 : memref<!tpu.dma_semaphore, #tpu.memory_space<semaphore_mem>>)
      %mul3A_228 = arith.constant 2 : i32
      %mul3A_229 = arith.muli %mul3A_228, %scan3A_201 : i32
      %add3A_230 = arith.constant 0 : i32
      %add3A_231 = arith.addi %mul3A_229, %add3A_230 : i32
      %dma_wait3A_232 = arith.constant 0 : i32
      %dma_wait3A_233 = arith.constant 0 : i32
      %dma_wait3A_234 = tpu.memref_slice %arg3[%dma_wait3A_232, %dma_wait3A_233] : memref<1000000x64xf32, #tpu.memory_space<hbm>> -> memref<400x64xf32, #tpu.memory_space<hbm>>
      %dma_wait3A_235 = arith.constant 0 : i32
      %dma_wait3A_236 = arith.constant 0 : i32
      %dma_wait3A_237 = tpu.memref_slice %arg3[%dma_wait3A_235, %dma_wait3A_236] : memref<1000000x64xf32, #tpu.memory_space<hbm>> -> memref<400x64xf32, #tpu.memory_space<hbm>>
      tpu.wait_dma2 semaphore(%arg8 : memref<!tpu.dma_semaphore, #tpu.memory_space<semaphore_mem>>) src(%dma_wait3A_237 : memref<400x64xf32, #tpu.memory_space<hbm>>) dst(%arg6 : memref<400x64xf32, #tpu.memory_space<vmem>>)
      %mul3A_238 = arith.constant 8 : i32
      %mul3A_239 = arith.muli %add3A_231, %mul3A_238 : i32
      %add3A_240 = arith.addi %mul3A_4, %mul3A_239 : i32
      %add3A_241 = arith.constant 0 : i32
      %add3A_242 = arith.addi %add3A_240, %add3A_241 : i32
      %dma_start3A_243 = arith.constant 0 : i32
      %dma_start3A_244 = arith.constant 0 : i32
      %dma_start3A_245 = tpu.memref_slice %arg6[%dma_start3A_243, %dma_start3A_244] : memref<400x64xf32, #tpu.memory_space<vmem>> -> memref<50x64xf32, #tpu.memory_space<vmem>>
      %dma_start3A_246 = arith.constant 0 : i32
      %dma_start3A_247 = arith.constant 0 : i32
      %dma_start3A_248 = tpu.memref_slice %arg4[%add3A_242, %dma_start3A_246, %dma_start3A_247] : memref<16384x50x64xf32, #tpu.memory_space<hbm>> -> memref<1x50x64xf32, #tpu.memory_space<hbm>>
      %dma_start3A_249 = tpu.memref_squeeze %dma_start3A_248 : memref<1x50x64xf32, #tpu.memory_space<hbm>> -> memref<50x64xf32, #tpu.memory_space<hbm>>
      %dma_start3A_250 = arith.constant 0 : i32
      %dma_start3A_251 = arith.constant 0 : i32
      %dma_start3A_252 = tpu.memref_slice %arg4[%add3A_242, %dma_start3A_250, %dma_start3A_251] : memref<16384x50x64xf32, #tpu.memory_space<hbm>> -> memref<1x50x64xf32, #tpu.memory_space<hbm>>
      %dma_start3A_253 = tpu.memref_squeeze %dma_start3A_252 : memref<1x50x64xf32, #tpu.memory_space<hbm>> -> memref<50x64xf32, #tpu.memory_space<hbm>>
      %dma_start3A_254 = arith.constant 0 : i32
      %dma_start3A_255 = arith.constant 0 : i32
      %dma_start3A_256 = tpu.memref_slice %arg6[%dma_start3A_254, %dma_start3A_255] : memref<400x64xf32, #tpu.memory_space<vmem>> -> memref<50x64xf32, #tpu.memory_space<vmem>>
      tpu.enqueue_dma source(%dma_start3A_256 : memref<50x64xf32, #tpu.memory_space<vmem>>) target(%dma_start3A_253 : memref<50x64xf32, #tpu.memory_space<hbm>>) target_semaphore(%arg10 : memref<!tpu.dma_semaphore, #tpu.memory_space<semaphore_mem>>)
      %mul3A_257 = arith.constant 8 : i32
      %mul3A_258 = arith.muli %add3A_231, %mul3A_257 : i32
      %add3A_259 = arith.addi %mul3A_4, %mul3A_258 : i32
      %add3A_260 = arith.constant 1 : i32
      %add3A_261 = arith.addi %add3A_259, %add3A_260 : i32
      %dma_start3A_262 = arith.constant 50 : i32
      %dma_start3A_263 = arith.constant 0 : i32
      %dma_start3A_264 = tpu.memref_slice %arg6[%dma_start3A_262, %dma_start3A_263] : memref<400x64xf32, #tpu.memory_space<vmem>> -> memref<50x64xf32, #tpu.memory_space<vmem>>
      %dma_start3A_265 = arith.constant 0 : i32
      %dma_start3A_266 = arith.constant 0 : i32
      %dma_start3A_267 = tpu.memref_slice %arg4[%add3A_261, %dma_start3A_265, %dma_start3A_266] : memref<16384x50x64xf32, #tpu.memory_space<hbm>> -> memref<1x50x64xf32, #tpu.memory_space<hbm>>
      %dma_start3A_268 = tpu.memref_squeeze %dma_start3A_267 : memref<1x50x64xf32, #tpu.memory_space<hbm>> -> memref<50x64xf32, #tpu.memory_space<hbm>>
      %dma_start3A_269 = arith.constant 0 : i32
      %dma_start3A_270 = arith.constant 0 : i32
      %dma_start3A_271 = tpu.memref_slice %arg4[%add3A_261, %dma_start3A_269, %dma_start3A_270] : memref<16384x50x64xf32, #tpu.memory_space<hbm>> -> memref<1x50x64xf32, #tpu.memory_space<hbm>>
      %dma_start3A_272 = tpu.memref_squeeze %dma_start3A_271 : memref<1x50x64xf32, #tpu.memory_space<hbm>> -> memref<50x64xf32, #tpu.memory_space<hbm>>
      %dma_start3A_273 = arith.constant 50 : i32
      %dma_start3A_274 = arith.constant 0 : i32
      %dma_start3A_275 = tpu.memref_slice %arg6[%dma_start3A_273, %dma_start3A_274] : memref<400x64xf32, #tpu.memory_space<vmem>> -> memref<50x64xf32, #tpu.memory_space<vmem>>
      tpu.enqueue_dma source(%dma_start3A_275 : memref<50x64xf32, #tpu.memory_space<vmem>>) target(%dma_start3A_272 : memref<50x64xf32, #tpu.memory_space<hbm>>) target_semaphore(%arg10 : memref<!tpu.dma_semaphore, #tpu.memory_space<semaphore_mem>>)
      %mul3A_276 = arith.constant 8 : i32
      %mul3A_277 = arith.muli %add3A_231, %mul3A_276 : i32
      %add3A_278 = arith.addi %mul3A_4, %mul3A_277 : i32
      %add3A_279 = arith.constant 2 : i32
      %add3A_280 = arith.addi %add3A_278, %add3A_279 : i32
      %dma_start3A_281 = arith.constant 100 : i32
      %dma_start3A_282 = arith.constant 0 : i32
      %dma_start3A_283 = tpu.memref_slice %arg6[%dma_start3A_281, %dma_start3A_282] : memref<400x64xf32, #tpu.memory_space<vmem>> -> memref<50x64xf32, #tpu.memory_space<vmem>>
      %dma_start3A_284 = arith.constant 0 : i32
      %dma_start3A_285 = arith.constant 0 : i32
      %dma_start3A_286 = tpu.memref_slice %arg4[%add3A_280, %dma_start3A_284, %dma_start3A_285] : memref<16384x50x64xf32, #tpu.memory_space<hbm>> -> memref<1x50x64xf32, #tpu.memory_space<hbm>>
      %dma_start3A_287 = tpu.memref_squeeze %dma_start3A_286 : memref<1x50x64xf32, #tpu.memory_space<hbm>> -> memref<50x64xf32, #tpu.memory_space<hbm>>
      %dma_start3A_288 = arith.constant 0 : i32
      %dma_start3A_289 = arith.constant 0 : i32
      %dma_start3A_290 = tpu.memref_slice %arg4[%add3A_280, %dma_start3A_288, %dma_start3A_289] : memref<16384x50x64xf32, #tpu.memory_space<hbm>> -> memref<1x50x64xf32, #tpu.memory_space<hbm>>
      %dma_start3A_291 = tpu.memref_squeeze %dma_start3A_290 : memref<1x50x64xf32, #tpu.memory_space<hbm>> -> memref<50x64xf32, #tpu.memory_space<hbm>>
      %dma_start3A_292 = arith.constant 100 : i32
      %dma_start3A_293 = arith.constant 0 : i32
      %dma_start3A_294 = tpu.memref_slice %arg6[%dma_start3A_292, %dma_start3A_293] : memref<400x64xf32, #tpu.memory_space<vmem>> -> memref<50x64xf32, #tpu.memory_space<vmem>>
      tpu.enqueue_dma source(%dma_start3A_294 : memref<50x64xf32, #tpu.memory_space<vmem>>) target(%dma_start3A_291 : memref<50x64xf32, #tpu.memory_space<hbm>>) target_semaphore(%arg10 : memref<!tpu.dma_semaphore, #tpu.memory_space<semaphore_mem>>)
      %mul3A_295 = arith.constant 8 : i32
      %mul3A_296 = arith.muli %add3A_231, %mul3A_295 : i32
      %add3A_297 = arith.addi %mul3A_4, %mul3A_296 : i32
      %add3A_298 = arith.constant 3 : i32
      %add3A_299 = arith.addi %add3A_297, %add3A_298 : i32
      %dma_start3A_300 = arith.constant 150 : i32
      %dma_start3A_301 = arith.constant 0 : i32
      %dma_start3A_302 = tpu.memref_slice %arg6[%dma_start3A_300, %dma_start3A_301] : memref<400x64xf32, #tpu.memory_space<vmem>> -> memref<50x64xf32, #tpu.memory_space<vmem>>
      %dma_start3A_303 = arith.constant 0 : i32
      %dma_start3A_304 = arith.constant 0 : i32
      %dma_start3A_305 = tpu.memref_slice %arg4[%add3A_299, %dma_start3A_303, %dma_start3A_304] : memref<16384x50x64xf32, #tpu.memory_space<hbm>> -> memref<1x50x64xf32, #tpu.memory_space<hbm>>
      %dma_start3A_306 = tpu.memref_squeeze %dma_start3A_305 : memref<1x50x64xf32, #tpu.memory_space<hbm>> -> memref<50x64xf32, #tpu.memory_space<hbm>>
      %dma_start3A_307 = arith.constant 0 : i32
      %dma_start3A_308 = arith.constant 0 : i32
      %dma_start3A_309 = tpu.memref_slice %arg4[%add3A_299, %dma_start3A_307, %dma_start3A_308] : memref<16384x50x64xf32, #tpu.memory_space<hbm>> -> memref<1x50x64xf32, #tpu.memory_space<hbm>>
      %dma_start3A_310 = tpu.memref_squeeze %dma_start3A_309 : memref<1x50x64xf32, #tpu.memory_space<hbm>> -> memref<50x64xf32, #tpu.memory_space<hbm>>
      %dma_start3A_311 = arith.constant 150 : i32
      %dma_start3A_312 = arith.constant 0 : i32
      %dma_start3A_313 = tpu.memref_slice %arg6[%dma_start3A_311, %dma_start3A_312] : memref<400x64xf32, #tpu.memory_space<vmem>> -> memref<50x64xf32, #tpu.memory_space<vmem>>
      tpu.enqueue_dma source(%dma_start3A_313 : memref<50x64xf32, #tpu.memory_space<vmem>>) target(%dma_start3A_310 : memref<50x64xf32, #tpu.memory_space<hbm>>) target_semaphore(%arg10 : memref<!tpu.dma_semaphore, #tpu.memory_space<semaphore_mem>>)
      %mul3A_314 = arith.constant 8 : i32
      %mul3A_315 = arith.muli %add3A_231, %mul3A_314 : i32
      %add3A_316 = arith.addi %mul3A_4, %mul3A_315 : i32
      %add3A_317 = arith.constant 4 : i32
      %add3A_318 = arith.addi %add3A_316, %add3A_317 : i32
      %dma_start3A_319 = arith.constant 200 : i32
      %dma_start3A_320 = arith.constant 0 : i32
      %dma_start3A_321 = tpu.memref_slice %arg6[%dma_start3A_319, %dma_start3A_320] : memref<400x64xf32, #tpu.memory_space<vmem>> -> memref<50x64xf32, #tpu.memory_space<vmem>>
      %dma_start3A_322 = arith.constant 0 : i32
      %dma_start3A_323 = arith.constant 0 : i32
      %dma_start3A_324 = tpu.memref_slice %arg4[%add3A_318, %dma_start3A_322, %dma_start3A_323] : memref<16384x50x64xf32, #tpu.memory_space<hbm>> -> memref<1x50x64xf32, #tpu.memory_space<hbm>>
      %dma_start3A_325 = tpu.memref_squeeze %dma_start3A_324 : memref<1x50x64xf32, #tpu.memory_space<hbm>> -> memref<50x64xf32, #tpu.memory_space<hbm>>
      %dma_start3A_326 = arith.constant 0 : i32
      %dma_start3A_327 = arith.constant 0 : i32
      %dma_start3A_328 = tpu.memref_slice %arg4[%add3A_318, %dma_start3A_326, %dma_start3A_327] : memref<16384x50x64xf32, #tpu.memory_space<hbm>> -> memref<1x50x64xf32, #tpu.memory_space<hbm>>
      %dma_start3A_329 = tpu.memref_squeeze %dma_start3A_328 : memref<1x50x64xf32, #tpu.memory_space<hbm>> -> memref<50x64xf32, #tpu.memory_space<hbm>>
      %dma_start3A_330 = arith.constant 200 : i32
      %dma_start3A_331 = arith.constant 0 : i32
      %dma_start3A_332 = tpu.memref_slice %arg6[%dma_start3A_330, %dma_start3A_331] : memref<400x64xf32, #tpu.memory_space<vmem>> -> memref<50x64xf32, #tpu.memory_space<vmem>>
      tpu.enqueue_dma source(%dma_start3A_332 : memref<50x64xf32, #tpu.memory_space<vmem>>) target(%dma_start3A_329 : memref<50x64xf32, #tpu.memory_space<hbm>>) target_semaphore(%arg10 : memref<!tpu.dma_semaphore, #tpu.memory_space<semaphore_mem>>)
      %mul3A_333 = arith.constant 8 : i32
      %mul3A_334 = arith.muli %add3A_231, %mul3A_333 : i32
      %add3A_335 = arith.addi %mul3A_4, %mul3A_334 : i32
      %add3A_336 = arith.constant 5 : i32
      %add3A_337 = arith.addi %add3A_335, %add3A_336 : i32
      %dma_start3A_338 = arith.constant 250 : i32
      %dma_start3A_339 = arith.constant 0 : i32
      %dma_start3A_340 = tpu.memref_slice %arg6[%dma_start3A_338, %dma_start3A_339] : memref<400x64xf32, #tpu.memory_space<vmem>> -> memref<50x64xf32, #tpu.memory_space<vmem>>
      %dma_start3A_341 = arith.constant 0 : i32
      %dma_start3A_342 = arith.constant 0 : i32
      %dma_start3A_343 = tpu.memref_slice %arg4[%add3A_337, %dma_start3A_341, %dma_start3A_342] : memref<16384x50x64xf32, #tpu.memory_space<hbm>> -> memref<1x50x64xf32, #tpu.memory_space<hbm>>
      %dma_start3A_344 = tpu.memref_squeeze %dma_start3A_343 : memref<1x50x64xf32, #tpu.memory_space<hbm>> -> memref<50x64xf32, #tpu.memory_space<hbm>>
      %dma_start3A_345 = arith.constant 0 : i32
      %dma_start3A_346 = arith.constant 0 : i32
      %dma_start3A_347 = tpu.memref_slice %arg4[%add3A_337, %dma_start3A_345, %dma_start3A_346] : memref<16384x50x64xf32, #tpu.memory_space<hbm>> -> memref<1x50x64xf32, #tpu.memory_space<hbm>>
      %dma_start3A_348 = tpu.memref_squeeze %dma_start3A_347 : memref<1x50x64xf32, #tpu.memory_space<hbm>> -> memref<50x64xf32, #tpu.memory_space<hbm>>
      %dma_start3A_349 = arith.constant 250 : i32
      %dma_start3A_350 = arith.constant 0 : i32
      %dma_start3A_351 = tpu.memref_slice %arg6[%dma_start3A_349, %dma_start3A_350] : memref<400x64xf32, #tpu.memory_space<vmem>> -> memref<50x64xf32, #tpu.memory_space<vmem>>
      tpu.enqueue_dma source(%dma_start3A_351 : memref<50x64xf32, #tpu.memory_space<vmem>>) target(%dma_start3A_348 : memref<50x64xf32, #tpu.memory_space<hbm>>) target_semaphore(%arg10 : memref<!tpu.dma_semaphore, #tpu.memory_space<semaphore_mem>>)
      %mul3A_352 = arith.constant 8 : i32
      %mul3A_353 = arith.muli %add3A_231, %mul3A_352 : i32
      %add3A_354 = arith.addi %mul3A_4, %mul3A_353 : i32
      %add3A_355 = arith.constant 6 : i32
      %add3A_356 = arith.addi %add3A_354, %add3A_355 : i32
      %dma_start3A_357 = arith.constant 300 : i32
      %dma_start3A_358 = arith.constant 0 : i32
      %dma_start3A_359 = tpu.memref_slice %arg6[%dma_start3A_357, %dma_start3A_358] : memref<400x64xf32, #tpu.memory_space<vmem>> -> memref<50x64xf32, #tpu.memory_space<vmem>>
      %dma_start3A_360 = arith.constant 0 : i32
      %dma_start3A_361 = arith.constant 0 : i32
      %dma_start3A_362 = tpu.memref_slice %arg4[%add3A_356, %dma_start3A_360, %dma_start3A_361] : memref<16384x50x64xf32, #tpu.memory_space<hbm>> -> memref<1x50x64xf32, #tpu.memory_space<hbm>>
      %dma_start3A_363 = tpu.memref_squeeze %dma_start3A_362 : memref<1x50x64xf32, #tpu.memory_space<hbm>> -> memref<50x64xf32, #tpu.memory_space<hbm>>
      %dma_start3A_364 = arith.constant 0 : i32
      %dma_start3A_365 = arith.constant 0 : i32
      %dma_start3A_366 = tpu.memref_slice %arg4[%add3A_356, %dma_start3A_364, %dma_start3A_365] : memref<16384x50x64xf32, #tpu.memory_space<hbm>> -> memref<1x50x64xf32, #tpu.memory_space<hbm>>
      %dma_start3A_367 = tpu.memref_squeeze %dma_start3A_366 : memref<1x50x64xf32, #tpu.memory_space<hbm>> -> memref<50x64xf32, #tpu.memory_space<hbm>>
      %dma_start3A_368 = arith.constant 300 : i32
      %dma_start3A_369 = arith.constant 0 : i32
      %dma_start3A_370 = tpu.memref_slice %arg6[%dma_start3A_368, %dma_start3A_369] : memref<400x64xf32, #tpu.memory_space<vmem>> -> memref<50x64xf32, #tpu.memory_space<vmem>>
      tpu.enqueue_dma source(%dma_start3A_370 : memref<50x64xf32, #tpu.memory_space<vmem>>) target(%dma_start3A_367 : memref<50x64xf32, #tpu.memory_space<hbm>>) target_semaphore(%arg10 : memref<!tpu.dma_semaphore, #tpu.memory_space<semaphore_mem>>)
      %mul3A_371 = arith.constant 8 : i32
      %mul3A_372 = arith.muli %add3A_231, %mul3A_371 : i32
      %add3A_373 = arith.addi %mul3A_4, %mul3A_372 : i32
      %add3A_374 = arith.constant 7 : i32
      %add3A_375 = arith.addi %add3A_373, %add3A_374 : i32
      %dma_start3A_376 = arith.constant 350 : i32
      %dma_start3A_377 = arith.constant 0 : i32
      %dma_start3A_378 = tpu.memref_slice %arg6[%dma_start3A_376, %dma_start3A_377] : memref<400x64xf32, #tpu.memory_space<vmem>> -> memref<50x64xf32, #tpu.memory_space<vmem>>
      %dma_start3A_379 = arith.constant 0 : i32
      %dma_start3A_380 = arith.constant 0 : i32
      %dma_start3A_381 = tpu.memref_slice %arg4[%add3A_375, %dma_start3A_379, %dma_start3A_380] : memref<16384x50x64xf32, #tpu.memory_space<hbm>> -> memref<1x50x64xf32, #tpu.memory_space<hbm>>
      %dma_start3A_382 = tpu.memref_squeeze %dma_start3A_381 : memref<1x50x64xf32, #tpu.memory_space<hbm>> -> memref<50x64xf32, #tpu.memory_space<hbm>>
      %dma_start3A_383 = arith.constant 0 : i32
      %dma_start3A_384 = arith.constant 0 : i32
      %dma_start3A_385 = tpu.memref_slice %arg4[%add3A_375, %dma_start3A_383, %dma_start3A_384] : memref<16384x50x64xf32, #tpu.memory_space<hbm>> -> memref<1x50x64xf32, #tpu.memory_space<hbm>>
      %dma_start3A_386 = tpu.memref_squeeze %dma_start3A_385 : memref<1x50x64xf32, #tpu.memory_space<hbm>> -> memref<50x64xf32, #tpu.memory_space<hbm>>
      %dma_start3A_387 = arith.constant 350 : i32
      %dma_start3A_388 = arith.constant 0 : i32
      %dma_start3A_389 = tpu.memref_slice %arg6[%dma_start3A_387, %dma_start3A_388] : memref<400x64xf32, #tpu.memory_space<vmem>> -> memref<50x64xf32, #tpu.memory_space<vmem>>
      tpu.enqueue_dma source(%dma_start3A_389 : memref<50x64xf32, #tpu.memory_space<vmem>>) target(%dma_start3A_386 : memref<50x64xf32, #tpu.memory_space<hbm>>) target_semaphore(%arg10 : memref<!tpu.dma_semaphore, #tpu.memory_space<semaphore_mem>>)
      %mul3A_390 = arith.constant 2 : i32
      %mul3A_391 = arith.muli %mul3A_390, %scan3A_201 : i32
      %add3A_392 = arith.constant 1 : i32
      %add3A_393 = arith.addi %mul3A_391, %add3A_392 : i32
      %dma_wait3A_394 = arith.constant 0 : i32
      %dma_wait3A_395 = arith.constant 0 : i32
      %dma_wait3A_396 = tpu.memref_slice %arg3[%dma_wait3A_394, %dma_wait3A_395] : memref<1000000x64xf32, #tpu.memory_space<hbm>> -> memref<400x64xf32, #tpu.memory_space<hbm>>
      %dma_wait3A_397 = arith.constant 0 : i32
      %dma_wait3A_398 = arith.constant 0 : i32
      %dma_wait3A_399 = tpu.memref_slice %arg3[%dma_wait3A_397, %dma_wait3A_398] : memref<1000000x64xf32, #tpu.memory_space<hbm>> -> memref<400x64xf32, #tpu.memory_space<hbm>>
      tpu.wait_dma2 semaphore(%arg9 : memref<!tpu.dma_semaphore, #tpu.memory_space<semaphore_mem>>) src(%dma_wait3A_399 : memref<400x64xf32, #tpu.memory_space<hbm>>) dst(%arg7 : memref<400x64xf32, #tpu.memory_space<vmem>>)
      %mul3A_400 = arith.constant 8 : i32
      %mul3A_401 = arith.muli %add3A_393, %mul3A_400 : i32
      %add3A_402 = arith.addi %mul3A_4, %mul3A_401 : i32
      %add3A_403 = arith.constant 0 : i32
      %add3A_404 = arith.addi %add3A_402, %add3A_403 : i32
      %dma_start3A_405 = arith.constant 0 : i32
      %dma_start3A_406 = arith.constant 0 : i32
      %dma_start3A_407 = tpu.memref_slice %arg7[%dma_start3A_405, %dma_start3A_406] : memref<400x64xf32, #tpu.memory_space<vmem>> -> memref<50x64xf32, #tpu.memory_space<vmem>>
      %dma_start3A_408 = arith.constant 0 : i32
      %dma_start3A_409 = arith.constant 0 : i32
      %dma_start3A_410 = tpu.memref_slice %arg4[%add3A_404, %dma_start3A_408, %dma_start3A_409] : memref<16384x50x64xf32, #tpu.memory_space<hbm>> -> memref<1x50x64xf32, #tpu.memory_space<hbm>>
      %dma_start3A_411 = tpu.memref_squeeze %dma_start3A_410 : memref<1x50x64xf32, #tpu.memory_space<hbm>> -> memref<50x64xf32, #tpu.memory_space<hbm>>
      %dma_start3A_412 = arith.constant 0 : i32
      %dma_start3A_413 = arith.constant 0 : i32
      %dma_start3A_414 = tpu.memref_slice %arg4[%add3A_404, %dma_start3A_412, %dma_start3A_413] : memref<16384x50x64xf32, #tpu.memory_space<hbm>> -> memref<1x50x64xf32, #tpu.memory_space<hbm>>
      %dma_start3A_415 = tpu.memref_squeeze %dma_start3A_414 : memref<1x50x64xf32, #tpu.memory_space<hbm>> -> memref<50x64xf32, #tpu.memory_space<hbm>>
      %dma_start3A_416 = arith.constant 0 : i32
      %dma_start3A_417 = arith.constant 0 : i32
      %dma_start3A_418 = tpu.memref_slice %arg7[%dma_start3A_416, %dma_start3A_417] : memref<400x64xf32, #tpu.memory_space<vmem>> -> memref<50x64xf32, #tpu.memory_space<vmem>>
      tpu.enqueue_dma source(%dma_start3A_418 : memref<50x64xf32, #tpu.memory_space<vmem>>) target(%dma_start3A_415 : memref<50x64xf32, #tpu.memory_space<hbm>>) target_semaphore(%arg11 : memref<!tpu.dma_semaphore, #tpu.memory_space<semaphore_mem>>)
      %mul3A_419 = arith.constant 8 : i32
      %mul3A_420 = arith.muli %add3A_393, %mul3A_419 : i32
      %add3A_421 = arith.addi %mul3A_4, %mul3A_420 : i32
      %add3A_422 = arith.constant 1 : i32
      %add3A_423 = arith.addi %add3A_421, %add3A_422 : i32
      %dma_start3A_424 = arith.constant 50 : i32
      %dma_start3A_425 = arith.constant 0 : i32
      %dma_start3A_426 = tpu.memref_slice %arg7[%dma_start3A_424, %dma_start3A_425] : memref<400x64xf32, #tpu.memory_space<vmem>> -> memref<50x64xf32, #tpu.memory_space<vmem>>
      %dma_start3A_427 = arith.constant 0 : i32
      %dma_start3A_428 = arith.constant 0 : i32
      %dma_start3A_429 = tpu.memref_slice %arg4[%add3A_423, %dma_start3A_427, %dma_start3A_428] : memref<16384x50x64xf32, #tpu.memory_space<hbm>> -> memref<1x50x64xf32, #tpu.memory_space<hbm>>
      %dma_start3A_430 = tpu.memref_squeeze %dma_start3A_429 : memref<1x50x64xf32, #tpu.memory_space<hbm>> -> memref<50x64xf32, #tpu.memory_space<hbm>>
      %dma_start3A_431 = arith.constant 0 : i32
      %dma_start3A_432 = arith.constant 0 : i32
      %dma_start3A_433 = tpu.memref_slice %arg4[%add3A_423, %dma_start3A_431, %dma_start3A_432] : memref<16384x50x64xf32, #tpu.memory_space<hbm>> -> memref<1x50x64xf32, #tpu.memory_space<hbm>>
      %dma_start3A_434 = tpu.memref_squeeze %dma_start3A_433 : memref<1x50x64xf32, #tpu.memory_space<hbm>> -> memref<50x64xf32, #tpu.memory_space<hbm>>
      %dma_start3A_435 = arith.constant 50 : i32
      %dma_start3A_436 = arith.constant 0 : i32
      %dma_start3A_437 = tpu.memref_slice %arg7[%dma_start3A_435, %dma_start3A_436] : memref<400x64xf32, #tpu.memory_space<vmem>> -> memref<50x64xf32, #tpu.memory_space<vmem>>
      tpu.enqueue_dma source(%dma_start3A_437 : memref<50x64xf32, #tpu.memory_space<vmem>>) target(%dma_start3A_434 : memref<50x64xf32, #tpu.memory_space<hbm>>) target_semaphore(%arg11 : memref<!tpu.dma_semaphore, #tpu.memory_space<semaphore_mem>>)
      %mul3A_438 = arith.constant 8 : i32
      %mul3A_439 = arith.muli %add3A_393, %mul3A_438 : i32
      %add3A_440 = arith.addi %mul3A_4, %mul3A_439 : i32
      %add3A_441 = arith.constant 2 : i32
      %add3A_442 = arith.addi %add3A_440, %add3A_441 : i32
      %dma_start3A_443 = arith.constant 100 : i32
      %dma_start3A_444 = arith.constant 0 : i32
      %dma_start3A_445 = tpu.memref_slice %arg7[%dma_start3A_443, %dma_start3A_444] : memref<400x64xf32, #tpu.memory_space<vmem>> -> memref<50x64xf32, #tpu.memory_space<vmem>>
      %dma_start3A_446 = arith.constant 0 : i32
      %dma_start3A_447 = arith.constant 0 : i32
      %dma_start3A_448 = tpu.memref_slice %arg4[%add3A_442, %dma_start3A_446, %dma_start3A_447] : memref<16384x50x64xf32, #tpu.memory_space<hbm>> -> memref<1x50x64xf32, #tpu.memory_space<hbm>>
      %dma_start3A_449 = tpu.memref_squeeze %dma_start3A_448 : memref<1x50x64xf32, #tpu.memory_space<hbm>> -> memref<50x64xf32, #tpu.memory_space<hbm>>
      %dma_start3A_450 = arith.constant 0 : i32
      %dma_start3A_451 = arith.constant 0 : i32
      %dma_start3A_452 = tpu.memref_slice %arg4[%add3A_442, %dma_start3A_450, %dma_start3A_451] : memref<16384x50x64xf32, #tpu.memory_space<hbm>> -> memref<1x50x64xf32, #tpu.memory_space<hbm>>
      %dma_start3A_453 = tpu.memref_squeeze %dma_start3A_452 : memref<1x50x64xf32, #tpu.memory_space<hbm>> -> memref<50x64xf32, #tpu.memory_space<hbm>>
      %dma_start3A_454 = arith.constant 100 : i32
      %dma_start3A_455 = arith.constant 0 : i32
      %dma_start3A_456 = tpu.memref_slice %arg7[%dma_start3A_454, %dma_start3A_455] : memref<400x64xf32, #tpu.memory_space<vmem>> -> memref<50x64xf32, #tpu.memory_space<vmem>>
      tpu.enqueue_dma source(%dma_start3A_456 : memref<50x64xf32, #tpu.memory_space<vmem>>) target(%dma_start3A_453 : memref<50x64xf32, #tpu.memory_space<hbm>>) target_semaphore(%arg11 : memref<!tpu.dma_semaphore, #tpu.memory_space<semaphore_mem>>)
      %mul3A_457 = arith.constant 8 : i32
      %mul3A_458 = arith.muli %add3A_393, %mul3A_457 : i32
      %add3A_459 = arith.addi %mul3A_4, %mul3A_458 : i32
      %add3A_460 = arith.constant 3 : i32
      %add3A_461 = arith.addi %add3A_459, %add3A_460 : i32
      %dma_start3A_462 = arith.constant 150 : i32
      %dma_start3A_463 = arith.constant 0 : i32
      %dma_start3A_464 = tpu.memref_slice %arg7[%dma_start3A_462, %dma_start3A_463] : memref<400x64xf32, #tpu.memory_space<vmem>> -> memref<50x64xf32, #tpu.memory_space<vmem>>
      %dma_start3A_465 = arith.constant 0 : i32
      %dma_start3A_466 = arith.constant 0 : i32
      %dma_start3A_467 = tpu.memref_slice %arg4[%add3A_461, %dma_start3A_465, %dma_start3A_466] : memref<16384x50x64xf32, #tpu.memory_space<hbm>> -> memref<1x50x64xf32, #tpu.memory_space<hbm>>
      %dma_start3A_468 = tpu.memref_squeeze %dma_start3A_467 : memref<1x50x64xf32, #tpu.memory_space<hbm>> -> memref<50x64xf32, #tpu.memory_space<hbm>>
      %dma_start3A_469 = arith.constant 0 : i32
      %dma_start3A_470 = arith.constant 0 : i32
      %dma_start3A_471 = tpu.memref_slice %arg4[%add3A_461, %dma_start3A_469, %dma_start3A_470] : memref<16384x50x64xf32, #tpu.memory_space<hbm>> -> memref<1x50x64xf32, #tpu.memory_space<hbm>>
      %dma_start3A_472 = tpu.memref_squeeze %dma_start3A_471 : memref<1x50x64xf32, #tpu.memory_space<hbm>> -> memref<50x64xf32, #tpu.memory_space<hbm>>
      %dma_start3A_473 = arith.constant 150 : i32
      %dma_start3A_474 = arith.constant 0 : i32
      %dma_start3A_475 = tpu.memref_slice %arg7[%dma_start3A_473, %dma_start3A_474] : memref<400x64xf32, #tpu.memory_space<vmem>> -> memref<50x64xf32, #tpu.memory_space<vmem>>
      tpu.enqueue_dma source(%dma_start3A_475 : memref<50x64xf32, #tpu.memory_space<vmem>>) target(%dma_start3A_472 : memref<50x64xf32, #tpu.memory_space<hbm>>) target_semaphore(%arg11 : memref<!tpu.dma_semaphore, #tpu.memory_space<semaphore_mem>>)
      %mul3A_476 = arith.constant 8 : i32
      %mul3A_477 = arith.muli %add3A_393, %mul3A_476 : i32
      %add3A_478 = arith.addi %mul3A_4, %mul3A_477 : i32
      %add3A_479 = arith.constant 4 : i32
      %add3A_480 = arith.addi %add3A_478, %add3A_479 : i32
      %dma_start3A_481 = arith.constant 200 : i32
      %dma_start3A_482 = arith.constant 0 : i32
      %dma_start3A_483 = tpu.memref_slice %arg7[%dma_start3A_481, %dma_start3A_482] : memref<400x64xf32, #tpu.memory_space<vmem>> -> memref<50x64xf32, #tpu.memory_space<vmem>>
      %dma_start3A_484 = arith.constant 0 : i32
      %dma_start3A_485 = arith.constant 0 : i32
      %dma_start3A_486 = tpu.memref_slice %arg4[%add3A_480, %dma_start3A_484, %dma_start3A_485] : memref<16384x50x64xf32, #tpu.memory_space<hbm>> -> memref<1x50x64xf32, #tpu.memory_space<hbm>>
      %dma_start3A_487 = tpu.memref_squeeze %dma_start3A_486 : memref<1x50x64xf32, #tpu.memory_space<hbm>> -> memref<50x64xf32, #tpu.memory_space<hbm>>
      %dma_start3A_488 = arith.constant 0 : i32
      %dma_start3A_489 = arith.constant 0 : i32
      %dma_start3A_490 = tpu.memref_slice %arg4[%add3A_480, %dma_start3A_488, %dma_start3A_489] : memref<16384x50x64xf32, #tpu.memory_space<hbm>> -> memref<1x50x64xf32, #tpu.memory_space<hbm>>
      %dma_start3A_491 = tpu.memref_squeeze %dma_start3A_490 : memref<1x50x64xf32, #tpu.memory_space<hbm>> -> memref<50x64xf32, #tpu.memory_space<hbm>>
      %dma_start3A_492 = arith.constant 200 : i32
      %dma_start3A_493 = arith.constant 0 : i32
      %dma_start3A_494 = tpu.memref_slice %arg7[%dma_start3A_492, %dma_start3A_493] : memref<400x64xf32, #tpu.memory_space<vmem>> -> memref<50x64xf32, #tpu.memory_space<vmem>>
      tpu.enqueue_dma source(%dma_start3A_494 : memref<50x64xf32, #tpu.memory_space<vmem>>) target(%dma_start3A_491 : memref<50x64xf32, #tpu.memory_space<hbm>>) target_semaphore(%arg11 : memref<!tpu.dma_semaphore, #tpu.memory_space<semaphore_mem>>)
      %mul3A_495 = arith.constant 8 : i32
      %mul3A_496 = arith.muli %add3A_393, %mul3A_495 : i32
      %add3A_497 = arith.addi %mul3A_4, %mul3A_496 : i32
      %add3A_498 = arith.constant 5 : i32
      %add3A_499 = arith.addi %add3A_497, %add3A_498 : i32
      %dma_start3A_500 = arith.constant 250 : i32
      %dma_start3A_501 = arith.constant 0 : i32
      %dma_start3A_502 = tpu.memref_slice %arg7[%dma_start3A_500, %dma_start3A_501] : memref<400x64xf32, #tpu.memory_space<vmem>> -> memref<50x64xf32, #tpu.memory_space<vmem>>
      %dma_start3A_503 = arith.constant 0 : i32
      %dma_start3A_504 = arith.constant 0 : i32
      %dma_start3A_505 = tpu.memref_slice %arg4[%add3A_499, %dma_start3A_503, %dma_start3A_504] : memref<16384x50x64xf32, #tpu.memory_space<hbm>> -> memref<1x50x64xf32, #tpu.memory_space<hbm>>
      %dma_start3A_506 = tpu.memref_squeeze %dma_start3A_505 : memref<1x50x64xf32, #tpu.memory_space<hbm>> -> memref<50x64xf32, #tpu.memory_space<hbm>>
      %dma_start3A_507 = arith.constant 0 : i32
      %dma_start3A_508 = arith.constant 0 : i32
      %dma_start3A_509 = tpu.memref_slice %arg4[%add3A_499, %dma_start3A_507, %dma_start3A_508] : memref<16384x50x64xf32, #tpu.memory_space<hbm>> -> memref<1x50x64xf32, #tpu.memory_space<hbm>>
      %dma_start3A_510 = tpu.memref_squeeze %dma_start3A_509 : memref<1x50x64xf32, #tpu.memory_space<hbm>> -> memref<50x64xf32, #tpu.memory_space<hbm>>
      %dma_start3A_511 = arith.constant 250 : i32
      %dma_start3A_512 = arith.constant 0 : i32
      %dma_start3A_513 = tpu.memref_slice %arg7[%dma_start3A_511, %dma_start3A_512] : memref<400x64xf32, #tpu.memory_space<vmem>> -> memref<50x64xf32, #tpu.memory_space<vmem>>
      tpu.enqueue_dma source(%dma_start3A_513 : memref<50x64xf32, #tpu.memory_space<vmem>>) target(%dma_start3A_510 : memref<50x64xf32, #tpu.memory_space<hbm>>) target_semaphore(%arg11 : memref<!tpu.dma_semaphore, #tpu.memory_space<semaphore_mem>>)
      %mul3A_514 = arith.constant 8 : i32
      %mul3A_515 = arith.muli %add3A_393, %mul3A_514 : i32
      %add3A_516 = arith.addi %mul3A_4, %mul3A_515 : i32
      %add3A_517 = arith.constant 6 : i32
      %add3A_518 = arith.addi %add3A_516, %add3A_517 : i32
      %dma_start3A_519 = arith.constant 300 : i32
      %dma_start3A_520 = arith.constant 0 : i32
      %dma_start3A_521 = tpu.memref_slice %arg7[%dma_start3A_519, %dma_start3A_520] : memref<400x64xf32, #tpu.memory_space<vmem>> -> memref<50x64xf32, #tpu.memory_space<vmem>>
      %dma_start3A_522 = arith.constant 0 : i32
      %dma_start3A_523 = arith.constant 0 : i32
      %dma_start3A_524 = tpu.memref_slice %arg4[%add3A_518, %dma_start3A_522, %dma_start3A_523] : memref<16384x50x64xf32, #tpu.memory_space<hbm>> -> memref<1x50x64xf32, #tpu.memory_space<hbm>>
      %dma_start3A_525 = tpu.memref_squeeze %dma_start3A_524 : memref<1x50x64xf32, #tpu.memory_space<hbm>> -> memref<50x64xf32, #tpu.memory_space<hbm>>
      %dma_start3A_526 = arith.constant 0 : i32
      %dma_start3A_527 = arith.constant 0 : i32
      %dma_start3A_528 = tpu.memref_slice %arg4[%add3A_518, %dma_start3A_526, %dma_start3A_527] : memref<16384x50x64xf32, #tpu.memory_space<hbm>> -> memref<1x50x64xf32, #tpu.memory_space<hbm>>
      %dma_start3A_529 = tpu.memref_squeeze %dma_start3A_528 : memref<1x50x64xf32, #tpu.memory_space<hbm>> -> memref<50x64xf32, #tpu.memory_space<hbm>>
      %dma_start3A_530 = arith.constant 300 : i32
      %dma_start3A_531 = arith.constant 0 : i32
      %dma_start3A_532 = tpu.memref_slice %arg7[%dma_start3A_530, %dma_start3A_531] : memref<400x64xf32, #tpu.memory_space<vmem>> -> memref<50x64xf32, #tpu.memory_space<vmem>>
      tpu.enqueue_dma source(%dma_start3A_532 : memref<50x64xf32, #tpu.memory_space<vmem>>) target(%dma_start3A_529 : memref<50x64xf32, #tpu.memory_space<hbm>>) target_semaphore(%arg11 : memref<!tpu.dma_semaphore, #tpu.memory_space<semaphore_mem>>)
      %mul3A_533 = arith.constant 8 : i32
      %mul3A_534 = arith.muli %add3A_393, %mul3A_533 : i32
      %add3A_535 = arith.addi %mul3A_4, %mul3A_534 : i32
      %add3A_536 = arith.constant 7 : i32
      %add3A_537 = arith.addi %add3A_535, %add3A_536 : i32
      %dma_start3A_538 = arith.constant 350 : i32
      %dma_start3A_539 = arith.constant 0 : i32
      %dma_start3A_540 = tpu.memref_slice %arg7[%dma_start3A_538, %dma_start3A_539] : memref<400x64xf32, #tpu.memory_space<vmem>> -> memref<50x64xf32, #tpu.memory_space<vmem>>
      %dma_start3A_541 = arith.constant 0 : i32
      %dma_start3A_542 = arith.constant 0 : i32
      %dma_start3A_543 = tpu.memref_slice %arg4[%add3A_537, %dma_start3A_541, %dma_start3A_542] : memref<16384x50x64xf32, #tpu.memory_space<hbm>> -> memref<1x50x64xf32, #tpu.memory_space<hbm>>
      %dma_start3A_544 = tpu.memref_squeeze %dma_start3A_543 : memref<1x50x64xf32, #tpu.memory_space<hbm>> -> memref<50x64xf32, #tpu.memory_space<hbm>>
      %dma_start3A_545 = arith.constant 0 : i32
      %dma_start3A_546 = arith.constant 0 : i32
      %dma_start3A_547 = tpu.memref_slice %arg4[%add3A_537, %dma_start3A_545, %dma_start3A_546] : memref<16384x50x64xf32, #tpu.memory_space<hbm>> -> memref<1x50x64xf32, #tpu.memory_space<hbm>>
      %dma_start3A_548 = tpu.memref_squeeze %dma_start3A_547 : memref<1x50x64xf32, #tpu.memory_space<hbm>> -> memref<50x64xf32, #tpu.memory_space<hbm>>
      %dma_start3A_549 = arith.constant 350 : i32
      %dma_start3A_550 = arith.constant 0 : i32
      %dma_start3A_551 = tpu.memref_slice %arg7[%dma_start3A_549, %dma_start3A_550] : memref<400x64xf32, #tpu.memory_space<vmem>> -> memref<50x64xf32, #tpu.memory_space<vmem>>
      tpu.enqueue_dma source(%dma_start3A_551 : memref<50x64xf32, #tpu.memory_space<vmem>>) target(%dma_start3A_548 : memref<50x64xf32, #tpu.memory_space<hbm>>) target_semaphore(%arg11 : memref<!tpu.dma_semaphore, #tpu.memory_space<semaphore_mem>>)
    }
    %scan3A_9 = arith.constant 32 : i32
    %dma_wait3A = arith.constant 0 : i32
    %dma_wait3A_10 = arith.constant 0 : i32
    %dma_wait3A_11 = tpu.memref_slice %arg6[%dma_wait3A, %dma_wait3A_10] : memref<400x64xf32, #tpu.memory_space<vmem>> -> memref<50x64xf32, #tpu.memory_space<vmem>>
    %dma_wait3A_12 = arith.constant 0 : i32
    %dma_wait3A_13 = arith.constant 0 : i32
    %dma_wait3A_14 = tpu.memref_slice %arg3[%dma_wait3A_12, %dma_wait3A_13] : memref<1000000x64xf32, #tpu.memory_space<hbm>> -> memref<50x64xf32, #tpu.memory_space<hbm>>
    %dma_wait3A_15 = arith.constant 0 : i32
    %dma_wait3A_16 = arith.constant 0 : i32
    %dma_wait3A_17 = tpu.memref_slice %arg6[%dma_wait3A_15, %dma_wait3A_16] : memref<400x64xf32, #tpu.memory_space<vmem>> -> memref<50x64xf32, #tpu.memory_space<vmem>>
    %dma_wait3A_18 = arith.constant 0 : i32
    %dma_wait3A_19 = arith.constant 0 : i32
    %dma_wait3A_20 = tpu.memref_slice %arg3[%dma_wait3A_18, %dma_wait3A_19] : memref<1000000x64xf32, #tpu.memory_space<hbm>> -> memref<50x64xf32, #tpu.memory_space<hbm>>
    tpu.wait_dma2 semaphore(%arg10 : memref<!tpu.dma_semaphore, #tpu.memory_space<semaphore_mem>>) src(%dma_wait3A_20 : memref<50x64xf32, #tpu.memory_space<hbm>>) dst(%dma_wait3A_17 : memref<50x64xf32, #tpu.memory_space<vmem>>)
    %dma_wait3A_21 = arith.constant 50 : i32
    %dma_wait3A_22 = arith.constant 0 : i32
    %dma_wait3A_23 = tpu.memref_slice %arg6[%dma_wait3A_21, %dma_wait3A_22] : memref<400x64xf32, #tpu.memory_space<vmem>> -> memref<50x64xf32, #tpu.memory_space<vmem>>
    %dma_wait3A_24 = arith.constant 0 : i32
    %dma_wait3A_25 = arith.constant 0 : i32
    %dma_wait3A_26 = tpu.memref_slice %arg3[%dma_wait3A_24, %dma_wait3A_25] : memref<1000000x64xf32, #tpu.memory_space<hbm>> -> memref<50x64xf32, #tpu.memory_space<hbm>>
    %dma_wait3A_27 = arith.constant 50 : i32
    %dma_wait3A_28 = arith.constant 0 : i32
    %dma_wait3A_29 = tpu.memref_slice %arg6[%dma_wait3A_27, %dma_wait3A_28] : memref<400x64xf32, #tpu.memory_space<vmem>> -> memref<50x64xf32, #tpu.memory_space<vmem>>
    %dma_wait3A_30 = arith.constant 0 : i32
    %dma_wait3A_31 = arith.constant 0 : i32
    %dma_wait3A_32 = tpu.memref_slice %arg3[%dma_wait3A_30, %dma_wait3A_31] : memref<1000000x64xf32, #tpu.memory_space<hbm>> -> memref<50x64xf32, #tpu.memory_space<hbm>>
    tpu.wait_dma2 semaphore(%arg10 : memref<!tpu.dma_semaphore, #tpu.memory_space<semaphore_mem>>) src(%dma_wait3A_32 : memref<50x64xf32, #tpu.memory_space<hbm>>) dst(%dma_wait3A_29 : memref<50x64xf32, #tpu.memory_space<vmem>>)
    %dma_wait3A_33 = arith.constant 100 : i32
    %dma_wait3A_34 = arith.constant 0 : i32
    %dma_wait3A_35 = tpu.memref_slice %arg6[%dma_wait3A_33, %dma_wait3A_34] : memref<400x64xf32, #tpu.memory_space<vmem>> -> memref<50x64xf32, #tpu.memory_space<vmem>>
    %dma_wait3A_36 = arith.constant 0 : i32
    %dma_wait3A_37 = arith.constant 0 : i32
    %dma_wait3A_38 = tpu.memref_slice %arg3[%dma_wait3A_36, %dma_wait3A_37] : memref<1000000x64xf32, #tpu.memory_space<hbm>> -> memref<50x64xf32, #tpu.memory_space<hbm>>
    %dma_wait3A_39 = arith.constant 100 : i32
    %dma_wait3A_40 = arith.constant 0 : i32
    %dma_wait3A_41 = tpu.memref_slice %arg6[%dma_wait3A_39, %dma_wait3A_40] : memref<400x64xf32, #tpu.memory_space<vmem>> -> memref<50x64xf32, #tpu.memory_space<vmem>>
    %dma_wait3A_42 = arith.constant 0 : i32
    %dma_wait3A_43 = arith.constant 0 : i32
    %dma_wait3A_44 = tpu.memref_slice %arg3[%dma_wait3A_42, %dma_wait3A_43] : memref<1000000x64xf32, #tpu.memory_space<hbm>> -> memref<50x64xf32, #tpu.memory_space<hbm>>
    tpu.wait_dma2 semaphore(%arg10 : memref<!tpu.dma_semaphore, #tpu.memory_space<semaphore_mem>>) src(%dma_wait3A_44 : memref<50x64xf32, #tpu.memory_space<hbm>>) dst(%dma_wait3A_41 : memref<50x64xf32, #tpu.memory_space<vmem>>)
    %dma_wait3A_45 = arith.constant 150 : i32
    %dma_wait3A_46 = arith.constant 0 : i32
    %dma_wait3A_47 = tpu.memref_slice %arg6[%dma_wait3A_45, %dma_wait3A_46] : memref<400x64xf32, #tpu.memory_space<vmem>> -> memref<50x64xf32, #tpu.memory_space<vmem>>
    %dma_wait3A_48 = arith.constant 0 : i32
    %dma_wait3A_49 = arith.constant 0 : i32
    %dma_wait3A_50 = tpu.memref_slice %arg3[%dma_wait3A_48, %dma_wait3A_49] : memref<1000000x64xf32, #tpu.memory_space<hbm>> -> memref<50x64xf32, #tpu.memory_space<hbm>>
    %dma_wait3A_51 = arith.constant 150 : i32
    %dma_wait3A_52 = arith.constant 0 : i32
    %dma_wait3A_53 = tpu.memref_slice %arg6[%dma_wait3A_51, %dma_wait3A_52] : memref<400x64xf32, #tpu.memory_space<vmem>> -> memref<50x64xf32, #tpu.memory_space<vmem>>
    %dma_wait3A_54 = arith.constant 0 : i32
    %dma_wait3A_55 = arith.constant 0 : i32
    %dma_wait3A_56 = tpu.memref_slice %arg3[%dma_wait3A_54, %dma_wait3A_55] : memref<1000000x64xf32, #tpu.memory_space<hbm>> -> memref<50x64xf32, #tpu.memory_space<hbm>>
    tpu.wait_dma2 semaphore(%arg10 : memref<!tpu.dma_semaphore, #tpu.memory_space<semaphore_mem>>) src(%dma_wait3A_56 : memref<50x64xf32, #tpu.memory_space<hbm>>) dst(%dma_wait3A_53 : memref<50x64xf32, #tpu.memory_space<vmem>>)
    %dma_wait3A_57 = arith.constant 200 : i32
    %dma_wait3A_58 = arith.constant 0 : i32
    %dma_wait3A_59 = tpu.memref_slice %arg6[%dma_wait3A_57, %dma_wait3A_58] : memref<400x64xf32, #tpu.memory_space<vmem>> -> memref<50x64xf32, #tpu.memory_space<vmem>>
    %dma_wait3A_60 = arith.constant 0 : i32
    %dma_wait3A_61 = arith.constant 0 : i32
    %dma_wait3A_62 = tpu.memref_slice %arg3[%dma_wait3A_60, %dma_wait3A_61] : memref<1000000x64xf32, #tpu.memory_space<hbm>> -> memref<50x64xf32, #tpu.memory_space<hbm>>
    %dma_wait3A_63 = arith.constant 200 : i32
    %dma_wait3A_64 = arith.constant 0 : i32
    %dma_wait3A_65 = tpu.memref_slice %arg6[%dma_wait3A_63, %dma_wait3A_64] : memref<400x64xf32, #tpu.memory_space<vmem>> -> memref<50x64xf32, #tpu.memory_space<vmem>>
    %dma_wait3A_66 = arith.constant 0 : i32
    %dma_wait3A_67 = arith.constant 0 : i32
    %dma_wait3A_68 = tpu.memref_slice %arg3[%dma_wait3A_66, %dma_wait3A_67] : memref<1000000x64xf32, #tpu.memory_space<hbm>> -> memref<50x64xf32, #tpu.memory_space<hbm>>
    tpu.wait_dma2 semaphore(%arg10 : memref<!tpu.dma_semaphore, #tpu.memory_space<semaphore_mem>>) src(%dma_wait3A_68 : memref<50x64xf32, #tpu.memory_space<hbm>>) dst(%dma_wait3A_65 : memref<50x64xf32, #tpu.memory_space<vmem>>)
    %dma_wait3A_69 = arith.constant 250 : i32
    %dma_wait3A_70 = arith.constant 0 : i32
    %dma_wait3A_71 = tpu.memref_slice %arg6[%dma_wait3A_69, %dma_wait3A_70] : memref<400x64xf32, #tpu.memory_space<vmem>> -> memref<50x64xf32, #tpu.memory_space<vmem>>
    %dma_wait3A_72 = arith.constant 0 : i32
    %dma_wait3A_73 = arith.constant 0 : i32
    %dma_wait3A_74 = tpu.memref_slice %arg3[%dma_wait3A_72, %dma_wait3A_73] : memref<1000000x64xf32, #tpu.memory_space<hbm>> -> memref<50x64xf32, #tpu.memory_space<hbm>>
    %dma_wait3A_75 = arith.constant 250 : i32
    %dma_wait3A_76 = arith.constant 0 : i32
    %dma_wait3A_77 = tpu.memref_slice %arg6[%dma_wait3A_75, %dma_wait3A_76] : memref<400x64xf32, #tpu.memory_space<vmem>> -> memref<50x64xf32, #tpu.memory_space<vmem>>
    %dma_wait3A_78 = arith.constant 0 : i32
    %dma_wait3A_79 = arith.constant 0 : i32
    %dma_wait3A_80 = tpu.memref_slice %arg3[%dma_wait3A_78, %dma_wait3A_79] : memref<1000000x64xf32, #tpu.memory_space<hbm>> -> memref<50x64xf32, #tpu.memory_space<hbm>>
    tpu.wait_dma2 semaphore(%arg10 : memref<!tpu.dma_semaphore, #tpu.memory_space<semaphore_mem>>) src(%dma_wait3A_80 : memref<50x64xf32, #tpu.memory_space<hbm>>) dst(%dma_wait3A_77 : memref<50x64xf32, #tpu.memory_space<vmem>>)
    %dma_wait3A_81 = arith.constant 300 : i32
    %dma_wait3A_82 = arith.constant 0 : i32
    %dma_wait3A_83 = tpu.memref_slice %arg6[%dma_wait3A_81, %dma_wait3A_82] : memref<400x64xf32, #tpu.memory_space<vmem>> -> memref<50x64xf32, #tpu.memory_space<vmem>>
    %dma_wait3A_84 = arith.constant 0 : i32
    %dma_wait3A_85 = arith.constant 0 : i32
    %dma_wait3A_86 = tpu.memref_slice %arg3[%dma_wait3A_84, %dma_wait3A_85] : memref<1000000x64xf32, #tpu.memory_space<hbm>> -> memref<50x64xf32, #tpu.memory_space<hbm>>
    %dma_wait3A_87 = arith.constant 300 : i32
    %dma_wait3A_88 = arith.constant 0 : i32
    %dma_wait3A_89 = tpu.memref_slice %arg6[%dma_wait3A_87, %dma_wait3A_88] : memref<400x64xf32, #tpu.memory_space<vmem>> -> memref<50x64xf32, #tpu.memory_space<vmem>>
    %dma_wait3A_90 = arith.constant 0 : i32
    %dma_wait3A_91 = arith.constant 0 : i32
    %dma_wait3A_92 = tpu.memref_slice %arg3[%dma_wait3A_90, %dma_wait3A_91] : memref<1000000x64xf32, #tpu.memory_space<hbm>> -> memref<50x64xf32, #tpu.memory_space<hbm>>
    tpu.wait_dma2 semaphore(%arg10 : memref<!tpu.dma_semaphore, #tpu.memory_space<semaphore_mem>>) src(%dma_wait3A_92 : memref<50x64xf32, #tpu.memory_space<hbm>>) dst(%dma_wait3A_89 : memref<50x64xf32, #tpu.memory_space<vmem>>)
    %dma_wait3A_93 = arith.constant 350 : i32
    %dma_wait3A_94 = arith.constant 0 : i32
    %dma_wait3A_95 = tpu.memref_slice %arg6[%dma_wait3A_93, %dma_wait3A_94] : memref<400x64xf32, #tpu.memory_space<vmem>> -> memref<50x64xf32, #tpu.memory_space<vmem>>
    %dma_wait3A_96 = arith.constant 0 : i32
    %dma_wait3A_97 = arith.constant 0 : i32
    %dma_wait3A_98 = tpu.memref_slice %arg3[%dma_wait3A_96, %dma_wait3A_97] : memref<1000000x64xf32, #tpu.memory_space<hbm>> -> memref<50x64xf32, #tpu.memory_space<hbm>>
    %dma_wait3A_99 = arith.constant 350 : i32
    %dma_wait3A_100 = arith.constant 0 : i32
    %dma_wait3A_101 = tpu.memref_slice %arg6[%dma_wait3A_99, %dma_wait3A_100] : memref<400x64xf32, #tpu.memory_space<vmem>> -> memref<50x64xf32, #tpu.memory_space<vmem>>
    %dma_wait3A_102 = arith.constant 0 : i32
    %dma_wait3A_103 = arith.constant 0 : i32
    %dma_wait3A_104 = tpu.memref_slice %arg3[%dma_wait3A_102, %dma_wait3A_103] : memref<1000000x64xf32, #tpu.memory_space<hbm>> -> memref<50x64xf32, #tpu.memory_space<hbm>>
    tpu.wait_dma2 semaphore(%arg10 : memref<!tpu.dma_semaphore, #tpu.memory_space<semaphore_mem>>) src(%dma_wait3A_104 : memref<50x64xf32, #tpu.memory_space<hbm>>) dst(%dma_wait3A_101 : memref<50x64xf32, #tpu.memory_space<vmem>>)
    %dma_wait3A_105 = arith.constant 0 : i32
    %dma_wait3A_106 = arith.constant 0 : i32
    %dma_wait3A_107 = tpu.memref_slice %arg7[%dma_wait3A_105, %dma_wait3A_106] : memref<400x64xf32, #tpu.memory_space<vmem>> -> memref<50x64xf32, #tpu.memory_space<vmem>>
    %dma_wait3A_108 = arith.constant 0 : i32
    %dma_wait3A_109 = arith.constant 0 : i32
    %dma_wait3A_110 = tpu.memref_slice %arg3[%dma_wait3A_108, %dma_wait3A_109] : memref<1000000x64xf32, #tpu.memory_space<hbm>> -> memref<50x64xf32, #tpu.memory_space<hbm>>
    %dma_wait3A_111 = arith.constant 0 : i32
    %dma_wait3A_112 = arith.constant 0 : i32
    %dma_wait3A_113 = tpu.memref_slice %arg7[%dma_wait3A_111, %dma_wait3A_112] : memref<400x64xf32, #tpu.memory_space<vmem>> -> memref<50x64xf32, #tpu.memory_space<vmem>>
    %dma_wait3A_114 = arith.constant 0 : i32
    %dma_wait3A_115 = arith.constant 0 : i32
    %dma_wait3A_116 = tpu.memref_slice %arg3[%dma_wait3A_114, %dma_wait3A_115] : memref<1000000x64xf32, #tpu.memory_space<hbm>> -> memref<50x64xf32, #tpu.memory_space<hbm>>
    tpu.wait_dma2 semaphore(%arg11 : memref<!tpu.dma_semaphore, #tpu.memory_space<semaphore_mem>>) src(%dma_wait3A_116 : memref<50x64xf32, #tpu.memory_space<hbm>>) dst(%dma_wait3A_113 : memref<50x64xf32, #tpu.memory_space<vmem>>)
    %dma_wait3A_117 = arith.constant 50 : i32
    %dma_wait3A_118 = arith.constant 0 : i32
    %dma_wait3A_119 = tpu.memref_slice %arg7[%dma_wait3A_117, %dma_wait3A_118] : memref<400x64xf32, #tpu.memory_space<vmem>> -> memref<50x64xf32, #tpu.memory_space<vmem>>
    %dma_wait3A_120 = arith.constant 0 : i32
    %dma_wait3A_121 = arith.constant 0 : i32
    %dma_wait3A_122 = tpu.memref_slice %arg3[%dma_wait3A_120, %dma_wait3A_121] : memref<1000000x64xf32, #tpu.memory_space<hbm>> -> memref<50x64xf32, #tpu.memory_space<hbm>>
    %dma_wait3A_123 = arith.constant 50 : i32
    %dma_wait3A_124 = arith.constant 0 : i32
    %dma_wait3A_125 = tpu.memref_slice %arg7[%dma_wait3A_123, %dma_wait3A_124] : memref<400x64xf32, #tpu.memory_space<vmem>> -> memref<50x64xf32, #tpu.memory_space<vmem>>
    %dma_wait3A_126 = arith.constant 0 : i32
    %dma_wait3A_127 = arith.constant 0 : i32
    %dma_wait3A_128 = tpu.memref_slice %arg3[%dma_wait3A_126, %dma_wait3A_127] : memref<1000000x64xf32, #tpu.memory_space<hbm>> -> memref<50x64xf32, #tpu.memory_space<hbm>>
    tpu.wait_dma2 semaphore(%arg11 : memref<!tpu.dma_semaphore, #tpu.memory_space<semaphore_mem>>) src(%dma_wait3A_128 : memref<50x64xf32, #tpu.memory_space<hbm>>) dst(%dma_wait3A_125 : memref<50x64xf32, #tpu.memory_space<vmem>>)
    %dma_wait3A_129 = arith.constant 100 : i32
    %dma_wait3A_130 = arith.constant 0 : i32
    %dma_wait3A_131 = tpu.memref_slice %arg7[%dma_wait3A_129, %dma_wait3A_130] : memref<400x64xf32, #tpu.memory_space<vmem>> -> memref<50x64xf32, #tpu.memory_space<vmem>>
    %dma_wait3A_132 = arith.constant 0 : i32
    %dma_wait3A_133 = arith.constant 0 : i32
    %dma_wait3A_134 = tpu.memref_slice %arg3[%dma_wait3A_132, %dma_wait3A_133] : memref<1000000x64xf32, #tpu.memory_space<hbm>> -> memref<50x64xf32, #tpu.memory_space<hbm>>
    %dma_wait3A_135 = arith.constant 100 : i32
    %dma_wait3A_136 = arith.constant 0 : i32
    %dma_wait3A_137 = tpu.memref_slice %arg7[%dma_wait3A_135, %dma_wait3A_136] : memref<400x64xf32, #tpu.memory_space<vmem>> -> memref<50x64xf32, #tpu.memory_space<vmem>>
    %dma_wait3A_138 = arith.constant 0 : i32
    %dma_wait3A_139 = arith.constant 0 : i32
    %dma_wait3A_140 = tpu.memref_slice %arg3[%dma_wait3A_138, %dma_wait3A_139] : memref<1000000x64xf32, #tpu.memory_space<hbm>> -> memref<50x64xf32, #tpu.memory_space<hbm>>
    tpu.wait_dma2 semaphore(%arg11 : memref<!tpu.dma_semaphore, #tpu.memory_space<semaphore_mem>>) src(%dma_wait3A_140 : memref<50x64xf32, #tpu.memory_space<hbm>>) dst(%dma_wait3A_137 : memref<50x64xf32, #tpu.memory_space<vmem>>)
    %dma_wait3A_141 = arith.constant 150 : i32
    %dma_wait3A_142 = arith.constant 0 : i32
    %dma_wait3A_143 = tpu.memref_slice %arg7[%dma_wait3A_141, %dma_wait3A_142] : memref<400x64xf32, #tpu.memory_space<vmem>> -> memref<50x64xf32, #tpu.memory_space<vmem>>
    %dma_wait3A_144 = arith.constant 0 : i32
    %dma_wait3A_145 = arith.constant 0 : i32
    %dma_wait3A_146 = tpu.memref_slice %arg3[%dma_wait3A_144, %dma_wait3A_145] : memref<1000000x64xf32, #tpu.memory_space<hbm>> -> memref<50x64xf32, #tpu.memory_space<hbm>>
    %dma_wait3A_147 = arith.constant 150 : i32
    %dma_wait3A_148 = arith.constant 0 : i32
    %dma_wait3A_149 = tpu.memref_slice %arg7[%dma_wait3A_147, %dma_wait3A_148] : memref<400x64xf32, #tpu.memory_space<vmem>> -> memref<50x64xf32, #tpu.memory_space<vmem>>
    %dma_wait3A_150 = arith.constant 0 : i32
    %dma_wait3A_151 = arith.constant 0 : i32
    %dma_wait3A_152 = tpu.memref_slice %arg3[%dma_wait3A_150, %dma_wait3A_151] : memref<1000000x64xf32, #tpu.memory_space<hbm>> -> memref<50x64xf32, #tpu.memory_space<hbm>>
    tpu.wait_dma2 semaphore(%arg11 : memref<!tpu.dma_semaphore, #tpu.memory_space<semaphore_mem>>) src(%dma_wait3A_152 : memref<50x64xf32, #tpu.memory_space<hbm>>) dst(%dma_wait3A_149 : memref<50x64xf32, #tpu.memory_space<vmem>>)
    %dma_wait3A_153 = arith.constant 200 : i32
    %dma_wait3A_154 = arith.constant 0 : i32
    %dma_wait3A_155 = tpu.memref_slice %arg7[%dma_wait3A_153, %dma_wait3A_154] : memref<400x64xf32, #tpu.memory_space<vmem>> -> memref<50x64xf32, #tpu.memory_space<vmem>>
    %dma_wait3A_156 = arith.constant 0 : i32
    %dma_wait3A_157 = arith.constant 0 : i32
    %dma_wait3A_158 = tpu.memref_slice %arg3[%dma_wait3A_156, %dma_wait3A_157] : memref<1000000x64xf32, #tpu.memory_space<hbm>> -> memref<50x64xf32, #tpu.memory_space<hbm>>
    %dma_wait3A_159 = arith.constant 200 : i32
    %dma_wait3A_160 = arith.constant 0 : i32
    %dma_wait3A_161 = tpu.memref_slice %arg7[%dma_wait3A_159, %dma_wait3A_160] : memref<400x64xf32, #tpu.memory_space<vmem>> -> memref<50x64xf32, #tpu.memory_space<vmem>>
    %dma_wait3A_162 = arith.constant 0 : i32
    %dma_wait3A_163 = arith.constant 0 : i32
    %dma_wait3A_164 = tpu.memref_slice %arg3[%dma_wait3A_162, %dma_wait3A_163] : memref<1000000x64xf32, #tpu.memory_space<hbm>> -> memref<50x64xf32, #tpu.memory_space<hbm>>
    tpu.wait_dma2 semaphore(%arg11 : memref<!tpu.dma_semaphore, #tpu.memory_space<semaphore_mem>>) src(%dma_wait3A_164 : memref<50x64xf32, #tpu.memory_space<hbm>>) dst(%dma_wait3A_161 : memref<50x64xf32, #tpu.memory_space<vmem>>)
    %dma_wait3A_165 = arith.constant 250 : i32
    %dma_wait3A_166 = arith.constant 0 : i32
    %dma_wait3A_167 = tpu.memref_slice %arg7[%dma_wait3A_165, %dma_wait3A_166] : memref<400x64xf32, #tpu.memory_space<vmem>> -> memref<50x64xf32, #tpu.memory_space<vmem>>
    %dma_wait3A_168 = arith.constant 0 : i32
    %dma_wait3A_169 = arith.constant 0 : i32
    %dma_wait3A_170 = tpu.memref_slice %arg3[%dma_wait3A_168, %dma_wait3A_169] : memref<1000000x64xf32, #tpu.memory_space<hbm>> -> memref<50x64xf32, #tpu.memory_space<hbm>>
    %dma_wait3A_171 = arith.constant 250 : i32
    %dma_wait3A_172 = arith.constant 0 : i32
    %dma_wait3A_173 = tpu.memref_slice %arg7[%dma_wait3A_171, %dma_wait3A_172] : memref<400x64xf32, #tpu.memory_space<vmem>> -> memref<50x64xf32, #tpu.memory_space<vmem>>
    %dma_wait3A_174 = arith.constant 0 : i32
    %dma_wait3A_175 = arith.constant 0 : i32
    %dma_wait3A_176 = tpu.memref_slice %arg3[%dma_wait3A_174, %dma_wait3A_175] : memref<1000000x64xf32, #tpu.memory_space<hbm>> -> memref<50x64xf32, #tpu.memory_space<hbm>>
    tpu.wait_dma2 semaphore(%arg11 : memref<!tpu.dma_semaphore, #tpu.memory_space<semaphore_mem>>) src(%dma_wait3A_176 : memref<50x64xf32, #tpu.memory_space<hbm>>) dst(%dma_wait3A_173 : memref<50x64xf32, #tpu.memory_space<vmem>>)
    %dma_wait3A_177 = arith.constant 300 : i32
    %dma_wait3A_178 = arith.constant 0 : i32
    %dma_wait3A_179 = tpu.memref_slice %arg7[%dma_wait3A_177, %dma_wait3A_178] : memref<400x64xf32, #tpu.memory_space<vmem>> -> memref<50x64xf32, #tpu.memory_space<vmem>>
    %dma_wait3A_180 = arith.constant 0 : i32
    %dma_wait3A_181 = arith.constant 0 : i32
    %dma_wait3A_182 = tpu.memref_slice %arg3[%dma_wait3A_180, %dma_wait3A_181] : memref<1000000x64xf32, #tpu.memory_space<hbm>> -> memref<50x64xf32, #tpu.memory_space<hbm>>
    %dma_wait3A_183 = arith.constant 300 : i32
    %dma_wait3A_184 = arith.constant 0 : i32
    %dma_wait3A_185 = tpu.memref_slice %arg7[%dma_wait3A_183, %dma_wait3A_184] : memref<400x64xf32, #tpu.memory_space<vmem>> -> memref<50x64xf32, #tpu.memory_space<vmem>>
    %dma_wait3A_186 = arith.constant 0 : i32
    %dma_wait3A_187 = arith.constant 0 : i32
    %dma_wait3A_188 = tpu.memref_slice %arg3[%dma_wait3A_186, %dma_wait3A_187] : memref<1000000x64xf32, #tpu.memory_space<hbm>> -> memref<50x64xf32, #tpu.memory_space<hbm>>
    tpu.wait_dma2 semaphore(%arg11 : memref<!tpu.dma_semaphore, #tpu.memory_space<semaphore_mem>>) src(%dma_wait3A_188 : memref<50x64xf32, #tpu.memory_space<hbm>>) dst(%dma_wait3A_185 : memref<50x64xf32, #tpu.memory_space<vmem>>)
    %dma_wait3A_189 = arith.constant 350 : i32
    %dma_wait3A_190 = arith.constant 0 : i32
    %dma_wait3A_191 = tpu.memref_slice %arg7[%dma_wait3A_189, %dma_wait3A_190] : memref<400x64xf32, #tpu.memory_space<vmem>> -> memref<50x64xf32, #tpu.memory_space<vmem>>
    %dma_wait3A_192 = arith.constant 0 : i32
    %dma_wait3A_193 = arith.constant 0 : i32
    %dma_wait3A_194 = tpu.memref_slice %arg3[%dma_wait3A_192, %dma_wait3A_193] : memref<1000000x64xf32, #tpu.memory_space<hbm>> -> memref<50x64xf32, #tpu.memory_space<hbm>>
    %dma_wait3A_195 = arith.constant 350 : i32
    %dma_wait3A_196 = arith.constant 0 : i32
    %dma_wait3A_197 = tpu.memref_slice %arg7[%dma_wait3A_195, %dma_wait3A_196] : memref<400x64xf32, #tpu.memory_space<vmem>> -> memref<50x64xf32, #tpu.memory_space<vmem>>
    %dma_wait3A_198 = arith.constant 0 : i32
    %dma_wait3A_199 = arith.constant 0 : i32
    %dma_wait3A_200 = tpu.memref_slice %arg3[%dma_wait3A_198, %dma_wait3A_199] : memref<1000000x64xf32, #tpu.memory_space<hbm>> -> memref<50x64xf32, #tpu.memory_space<hbm>>
    tpu.wait_dma2 semaphore(%arg11 : memref<!tpu.dma_semaphore, #tpu.memory_space<semaphore_mem>>) src(%dma_wait3A_200 : memref<50x64xf32, #tpu.memory_space<hbm>>) dst(%dma_wait3A_197 : memref<50x64xf32, #tpu.memory_space<vmem>>)
    return
  }
}

</mosaic_0001>

<sc_bundles>
// kernel: kernel.3.cloned.1.call-start
scs
__scs_entry_jumppad:
0x0: {  	(pc) =	sbr.rel $0x88, $3  }
0x1: {  	(tag) =	ssettag $0x0;
	lr =	simm.s32 $0x1  }
0x2: {  	[smem:$0x3F9F] =	sst lr;
	_ =	strace $0xD0000000  }
0x3: {  	_ = 	snop  }
0x4: {  	_ = 	snop  }
0x5: {  	_ = 	snop  }
0x6: {  	_ = 	snop  }
0x7: {  	_ = 	snop  }
__scs_overlays_trampoline_lowered:
0x8: {  	[smem:$0x3FAE] =	sst s0  }
0x9: {  	[smem:$0x3FAF] =	sst s1  }
0xa: {  	[smem:$0x3FB0] =	sst s2  }
0xb: {  	[smem:$0x3FB1] =	sst s3  }
0xc: {  	[smem:$0x3FB2] =	sst s4  }
0xd: {  	[smem:$0x3FB3] =	sst s5  }
0xe: {  	[smem:$0x3FB4] =	sst s6  }
0xf: {  	[smem:$0x3FB5] =	sst s7  }
0x10: {  	[smem:$0x3FB6] =	sst s8  }
0x11: {  	[smem:$0x3FB7] =	sst s9;
	s0 =	simm.s32 @!p0 $0x0  }
0x12: {  	s1 =	sld [smem:$0x3F9D];
	s0 =	simm.s32 @p0 $0x1  }
0x13: {  	[smem:$0x3FB8] =	sst s0;
	s0 =	simm.s32 @!p1 $0x0  }
0x14: {  	s2 =	sld [smem:$0x3F9C];
	s0 =	simm.s32 @p1 $0x1  }
0x15: {  	[smem:$0x3FB9] =	sst s0;
	s0 =	simm.s32 @!p2 $0x0  }
0x16: {  	s3 =	sld [smem:$0x3FDB];
	s0 =	simm.s32 @p2 $0x1  }
0x17: {  	s4 =	simm.s32 $0x1BF5;
	[smem:$0x3FBB] =	sst s0  }
0x18: {  	s0 =	sld [smem:$0x3F9E];
	_ =	swait.ge [sflag:s4], $0x0  }
0x19: {  	s7 =	sld [smem:$0x3F9F]  }
0x1a: {  	s8 =	sadd.s32 $0xFFFFE003, lr  }
0x1b: {  	s9 =	sadd.s32 $0xFFFFFEF7, lr;
	s5 =	simm.s32 $0xFFFFFFFF;
	p2 =	slt.u32 s8, $0xFFFFF086  }
0x1c: {  	p1 =	slt.u32 s9, $0xF7A;
	s5 =	simm.s32 @!p2 $0x0  }
0x1d: {  	s5 =	simm.s32 @p1 $0x1;
	p0 =	seq.s32 s7, s2  }
0x1e: {  	s7 =	smul.u32 @!p0 $0xF7A, s2;
	p2 =	seq.s32 @!p0 s5, $0x0  }
0x1f: {  	s9 =	smul.u32 $0xF7A, s1;
	s8 =	simm.s32 @!p0 $0x1BF5;
	p2 =	por !p2, p0  }
0x20: {  	[sflag:s8] =	ssyncset.s32 @!p0 $0xFFFFF086;
	s6 =	sadd.s32 @!p0 s3, s7;
	s7 =	simm.s32 @!p0 $0x108  }
0x21: {  	s3 =	sadd.s32 s3, s9;
	s6 =	sadd.s32 @!p0 $0x88, s6;
	s7 =	simm.s32 @p2 $0x1082  }
0x22: {  	[simem:s7], [sflag:s8] =	dma.local @!p0 [hbm:s6], $0xF7A  }
0x23: {  	s9 =	sor.u32 $0xD0000000, s2;
	s6 =	simm.s32 $0x108;
	_ =	swait.ge @!p0 [sflag:s8], $0x0  }
0x24: {  	s3 =	sadd.s32 $0x88, s3;
	s6 =	simm.s32 @!p1 $0x1082;
	[sflag:s4] =	ssyncset.s32 $0xFFFFF086  }
0x25: {  	[simem:s6], [sflag:s4] =	dma.local [hbm:s3], $0xF7A  }
0x26: {  	[smem:$0x3F9F] =	sst s1;
	(tag) =	ssettag s2;
	_ =	strace s9  }
0x27: {  	s1 =	sld [smem:$0x3FAF]  }
0x28: {  	s2 =	sld [smem:$0x3FB0]  }
0x29: {  	s4 =	sld [smem:$0x3FB2]  }
0x2a: {  	p0 =	seq.s32 s5, $0x0;
	s5 =	sld [smem:$0x3FB3]  }
0x2b: {  	s6 =	sld [smem:$0x3FB4]  }
0x2c: {  	s7 =	sld [smem:$0x3FB5]  }
0x2d: {  	s3 =	simm.s32 $0x108;
	s8 =	sld [smem:$0x3FB6]  }
0x2e: {  	s3 =	simm.s32 @!p0 $0x1082;
	s9 =	sld [smem:$0x3FB7]  }
0x2f: {  	lr =	sadd.s32 s0, s3;
	s0 =	sld [smem:$0x3FAE]  }
0x30: {  	s3 =	sld [smem:$0x3FB1]  }
0x31: {  	[smem:$0x3FBA] =	sst s10  }
0x32: {  	s10 =	sld [smem:$0x3FB8];
	_ =	sdelay $0x3  }
0x33: {  	p0 =	seq.s32 s10, $0x1;
	s10 =	sld [smem:$0x3FBA];
	_ =	sdelay $0x3  }
0x34: {  	[smem:$0x3FBA] =	sst s10  }
0x35: {  	s10 =	sld [smem:$0x3FB9];
	_ =	sdelay $0x3  }
0x36: {  	p1 =	seq.s32 s10, $0x1;
	s10 =	sld [smem:$0x3FBA];
	_ =	sdelay $0x3  }
0x37: {  	[smem:$0x3FBA] =	sst s10  }
0x38: {  	s10 =	sld [smem:$0x3FBB]  }
0x39: {  	_ = 	snop;
	(pc) =	sbr.ind lr, $3  }
0x3a: {  	_ = 	snop  }
0x3b: {  	_ = 	snop  }
0x3c: {  	p2 =	seq.s32 s10, $0x1;
	s10 =	sld [smem:$0x3FBA]  }
0x3d: {  	_ =	shalt  }
0x3e: {  	_ =	shalt  }
0x3f: {  	_ =	shalt  }
0x40: {  	_ =	shalt  }
0x41: {  	_ =	shalt  }
0x42: {  	_ =	shalt  }
0x43: {  	_ =	shalt  }
0x44: {  	_ =	shalt  }
0x45: {  	_ =	shalt  }
0x46: {  	_ =	shalt  }
0x47: {  	_ =	shalt  }
0x48: {  	_ =	shalt  }
0x49: {  	_ =	shalt  }
0x4a: {  	_ =	shalt  }
0x4b: {  	_ =	shalt  }
0x4c: {  	_ =	shalt  }
0x4d: {  	_ =	shalt  }
0x4e: {  	_ =	shalt  }
0x4f: {  	_ =	shalt  }
0x50: {  	_ =	shalt  }
0x51: {  	_ =	shalt  }
0x52: {  	_ =	shalt  }
0x53: {  	_ =	shalt  }
0x54: {  	_ =	shalt  }
0x55: {  	_ =	shalt  }
0x56: {  	_ =	shalt  }
0x57: {  	_ =	shalt  }
0x58: {  	_ =	shalt  }
0x59: {  	_ =	shalt  }
0x5a: {  	_ =	shalt  }
0x5b: {  	_ =	shalt  }
0x5c: {  	_ =	shalt  }
0x5d: {  	_ =	shalt  }
0x5e: {  	_ =	shalt  }
0x5f: {  	_ =	shalt  }
0x60: {  	_ =	shalt  }
0x61: {  	_ =	shalt  }
0x62: {  	_ =	shalt  }
0x63: {  	_ =	shalt  }
0x64: {  	_ =	shalt  }
0x65: {  	_ =	shalt  }
0x66: {  	_ =	shalt  }
0x67: {  	_ =	shalt  }
0x68: {  	_ =	shalt  }
0x69: {  	_ =	shalt  }
0x6a: {  	_ =	shalt  }
0x6b: {  	_ =	shalt  }
0x6c: {  	_ =	shalt  }
0x6d: {  	_ =	shalt  }
0x6e: {  	_ =	shalt  }
0x6f: {  	_ =	shalt  }
0x70: {  	_ =	shalt  }
0x71: {  	_ =	shalt  }
0x72: {  	_ =	shalt  }
0x73: {  	_ =	shalt  }
0x74: {  	_ =	shalt  }
0x75: {  	_ =	shalt  }
0x76: {  	_ =	shalt  }
0x77: {  	_ =	shalt  }
0x78: {  	_ =	shalt  }
0x79: {  	_ =	shalt  }
0x7a: {  	_ =	shalt  }
0x7b: {  	_ =	shalt  }
0x7c: {  	_ =	shalt  }
0x7d: {  	_ =	shalt  }
0x7e: {  	_ =	shalt  }
0x7f: {  	_ =	shalt  }
0x80: {  	_ =	shalt  }
0x81: {  	_ =	shalt  }
0x82: {  	_ =	shalt  }
0x83: {  	_ =	shalt  }
0x84: {  	_ =	shalt  }
0x85: {  	_ =	shalt  }
0x86: {  	_ =	shalt  }
0x87: {  	_ =	shalt  }
.Lfunc_end0:
.L_simem_size_0:
called_computation.1_lowered:
.L_overlay_start_0:
0x88: {  	s2 =	sld [smem:$0x3FD9]  }
0x89: {  	s3 =	sld [smem:$0x3FFE];
	_ =	sdelay $0x1  }
0x8a: {  	s1 =	srdreg.scid  }
0x8b: {  	s0 =	sand.u32 $0x1, s1  }
0x8c: {  	s17 =	sshll.u32 s0, $0xA;
	s2 =	sadd.s32 s3, s2  }
0x8d: {  	s2 =	sadd.s32 s2, s17  }
0x8e: {  	[smem:$0x3FC6] =	sst s2  }
0x8f: {  	_ = 	snop  }
0x90: {  	s2 =	sld [smem:$0x3FD0];
	(tm) =	ssettm $0x1  }
0x91: {  	s18 =	sld [smem:$0x3FFB];
	_ =	sdelay $0x3  }
0x92: {  	_ =	strace s18  }
0x93: {  	s3 =	sld [smem:$0x3FFC];
	_ =	sdelay $0x3  }
0x94: {  	_ =	strace s3  }
0x95: {  	s3 =	sld [smem:$0x3FFD];
	_ =	sdelay $0x3  }
0x96: {  	_ =	strace s3  }
0x97: {  	_ =	strace $0x8FFFFFFF  }
0x98: {  	s19 =	sld [smem:$0x3FDB];
	_ =	sdelay $0x1  }
0x99: {  	s4 =	simm.s32 $_scs_section_size  }
0x9a: {  	s5 =	simm.s32 $_size__tile_overlayer_lowered;
	s6 =	simm.s32 $_tile_overlayer_lowered  }
0x9b: {  	s22 =	simm.s32 $0x1BFF;
	s21 =	sshll.u32 s6, $0x1;
	s3 =	sadd.s32 s4, s19  }
0x9c: {  	s7 =	simm.s32 $0x0;
	s20 =	sshll.u32 s5, $0x1;
	s5 =	sadd.s32 s21, s3  }
0x9d: {  	[timem:s7], [sflag:s22] =	dma.local [hbm:s5], s20  }
0x9e: {  	_ =	swait.ge [sflag:s22], s20  }
0x9f: {  	s4 =	ssub.s32 $0x0, s20;
	[sflag:s22] =	ssyncset.done $0x0  }
0xa0: {  	[sflag:s22] =	ssyncadd.s32 s4;
	_ =	sdelay $0x1  }
0xa1: {  	s23 =	simm.s32 $0x1B8B  }
0xa2: {  	_ =	swait.ge [sflag:s23], $0x1  }
0xa3: {  	[sflag:s23] =	ssyncset.done $0x0  }
0xa4: {  	s25 =	simm.s32 $0x1B8E;
	s24 =	sld [smem:$0x3FFE];
	[sflag:s23] =	ssyncadd.s32 $0xFFFFFFFF  }
0xa5: {  	s26 =	simm.s32 $execute0_lowered;
	[smem:$0x3FD2] =	sst s25  }
0xa6: {  	s5 =	sshll.u32 s26, $0x1;
	_ =	strace $0x80000046;
	[dreg:$0x1] =	wrdreg $0xFFFFFFFF  }
0xa7: {  	s28 =	simm.s32 $_size_execute0_lowered;
	s3 =	sadd.s32 s3, s5;
	[dreg:$0x0] =	wrdreg $0x0  }
0xa8: {  	s5 =	sshll.u32 s28, $0x1;
	[dreg:$0x2] =	wrdreg s3  }
0xa9: {  	[dreg:$0x3] =	wrdreg s5  }
0xaa: {  	[dreg:$0x4] =	wrdreg $0xC0  }
0xab: {  	_ =	task [dreg:s7], $0x5FFFF  }
0xac: {  	[dreg:$0x1] =	wrdreg $0xFFFFFFFF  }
0xad: {  	[dreg:$0x0] =	wrdreg $0x60  }
0xae: {  	[dreg:$0x2] =	wrdreg s24  }
0xaf: {  	[dreg:$0x3] =	wrdreg s2  }
0xb0: {  	[dreg:$0x4] =	wrdreg $0x9  }
0xb1: {  	_ =	task.clear_ibuf [dreg:s7], $0x5FFFF;
	_ =	strace $0x90000046  }
0xb2: {  	s29 =	simm.s32 $0x9;
	_ =	strace $0x80000048  }
0xb3: {  	_ =	swait.ge [sflag:s29], $0x1  }
0xb4: {  	[sflag:s29] =	ssyncadd.s32 $0xFFFFFFFF  }
0xb5: {  	_ =	strace $0x90000048  }
0xb6: {  	_ =	sfence  }
0xb7: {  	s30 =	sld [smem:$0x0];
	_ =	sdelay $0x2  }
0xb8: {  	s31 =	sshll.u32 s1, $0xD;
	s1 =	sshrl.u32 s1, $0x2  }
0xb9: {  	s3 =	sand.u32 $0x4000, s31;
	s1 =	sadd.s32 s1, s30  }
0xba: {  	s0 =	sor.u32 s3, s0;
	s1 =	sshll.u32 s1, $0x11  }
0xbb: {  	s0 =	sor.u32 s1, s0  }
0xbc: {  	s0 =	sadd.s32 $0x8F2B, s0  }
0xbd: {  	[sflag:s0] =	ssyncadd.remote.s32 $0x1  }
0xbe: {  	_ =	sfence.sel $0xFFFF  }
0xbf: {  	[dreg:$0x0] =	wrdreg $0xFFFFFFFF;
	(pc) =	sbr.abs _section_cstart, $3  }
0xc0: {  	[dreg:$0x1] =	wrdreg $0xFFFFFFFF  }
0xc1: {  	_ =	task.clear_ibuf [dreg:s7], $0x2FFFF;
	_ =	strace $0x9FFFFFFF  }
0xc2: {  	(tm) =	ssettm $0x7FFFFFFF  }
0xc3: {  	_ =	shalt  }
tec
execute0_lowered:
.L_overlay_start_1:
0x0: {  	(tag) =	ssettag $0x1  }
0x1: {  	s4 =	rddreg [dreg:$0x0]  }
0x2: {  	s1 =	srdreg.scid;
	s2 =	rddreg [dreg:$0x1]  }
0x3: {  	s3 =	simm.s32 $0x0;
	s5 =	sand.u32 $0x1, s1;
	s1 =	rddreg [dreg:$0x2]  }
0x4: {  	s0 =	stileid.u32;
	s15 =	simm.s32 $0x190;
	[smem:$0x7FF] =	sst s3  }
0x5: {  	s16 =	simm.s32 $0x6400;
	_ =	strace $0x80000047;
	[dreg:$0xc] =	wrdreg s15  }
0x6: {  	s17 =	simm.s32 $0x7080;
	s18 =	simm.s32 $0x7D00;
	[dreg:$0xd] =	wrdreg s16  }
0x7: {  	s19 =	simm.s32 $0x8980;
	s6 =	smul.u32 $0x320000, s0;
	[dreg:$0xe] =	wrdreg s17  }
0x8: {  	s20 =	simm.s32 $0x9600;
	s11 =	smul.u32 $0x64000, s0;
	[dreg:$0xf] =	wrdreg s18  }
0x9: {  	s8 =	sshll.u32 s0, $0x1;
	s7 =	smul.u32 $0x190000, s5;
	[dreg:$0x10] =	wrdreg s19  }
0xa: {  	s21 =	sor.u32 s5, s8;
	s12 =	smul.u32 $0x32000, s5;
	[dreg:$0x11] =	wrdreg s20  }
0xb: {  	s5 =	ssub.s32 $0x2, s5;
	s9 =	sshll.u32 s21, $0x9;
	s13 =	sadd.s32 s11, s2  }
0xc: {  	s11 =	simm.s32 $0x11F80;
	s6 =	sadd.s32 s7, s6;
	[dreg:$0x3] =	wrdreg s9  }
0xd: {  	s14 =	sadd.s32 s12, s13;
	s7 =	smul.u32 $0xC80, s21;
	s21 =	simm.s32 $0xA280  }
0xe: {  	[dreg:$0x1b] =	wrdreg s11;
	s11 =	simm.s32 $0x3;
	s12 =	simm.s32 $0x4  }
0xf: {  	s13 =	simm.s32 $0x0;
	s22 =	sor.u32 $0x5780, s6;
	s10 =	sor.u32 $0x4B00, s6  }
0x10: {  	s28 =	sor.u32 $0x3200, s6;
	s29 =	sor.u32 $0x2580, s6;
	[dreg:$0xb] =	wrdreg s14  }
0x11: {  	[dreg:$0x12] =	wrdreg s21;
	s8 =	sshrl.u32 s22, $0x3;
	s22 =	simm.s32 $0xAF00  }
0x12: {  	s9 =	sshrl.u32 s28, $0x3;
	s28 =	simm.s32 $0xED80;
	[dreg:$0x13] =	wrdreg s22  }
0x13: {  	s31 =	sshrl.u32 s29, $0x3;
	s29 =	simm.s32 $0xFA00;
	[dreg:$0x17] =	wrdreg s28  }
0x14: {  	s23 =	sshrl.u32 s10, $0x3;
	s8 =	sadd.s32 s8, s2;
	[dreg:$0x18] =	wrdreg s29  }
0x15: {  	s25 =	sor.u32 $0x3E80, s6;
	s24 =	sadd.s32 s23, s2;
	[dreg:$0x4] =	wrdreg s8  }
0x16: {  	s26 =	sshrl.u32 s25, $0x3;
	s30 =	sadd.s32 s9, s2;
	[dreg:$0x5] =	wrdreg s24  }
0x17: {  	s10 =	sor.u32 $0x1900, s6;
	s9 =	sadd.s32 s31, s2;
	[dreg:$0x7] =	wrdreg s30  }
0x18: {  	s6 =	sor.u32 $0xC80, s6;
	s23 =	simm.s32 $0xBB80;
	[dreg:$0x8] =	wrdreg s9  }
0x19: {  	s7 =	sadd.s32 s7, s4;
	s31 =	simm.s32 $0x11300;
	[dreg:$0x14] =	wrdreg s23  }
0x1a: {  	s6 =	sshrl.u32 s6, $0x3;
	s8 =	sadd.s32 s26, s2;
	[dreg:$0x1a] =	wrdreg s31  }
0x1b: {  	s4 =	sadd.s32 $0xF42E00, s4;
	s6 =	sadd.s32 s6, s2;
	[dreg:$0x6] =	wrdreg s8  }
0x1c: {  	s25 =	sshrl.u32 s5, $0x1;
	s24 =	simm.s32 $0xD480;
	[dreg:$0xa] =	wrdreg s6  }
0x1d: {  	s26 =	simm.s32 $0xE100;
	s30 =	simm.s32 $0x10680;
	[dreg:$0x15] =	wrdreg s24  }
0x1e: {  	s9 =	simm.s32 $0x1;
	s8 =	sshrl.u32 s10, $0x3;
	[dreg:$0x16] =	wrdreg s26  }
0x1f: {  	[dreg:$0x19] =	wrdreg s30;
	s10 =	simm.s32 $0x2;
	s8 =	sadd.s32 s8, s2  }
0x20: {  	[dreg:$0x9] =	wrdreg s8;
	s8 =	ssub.s32 s5, s25;
	s5 =	sadd.s32 $0xA00, s7  }
0x21: {  	s7 =	simm.s32 $0x5;
	s6 =	smax.u32 s8, $0x1;
	s8 =	simm.s32 $0xC800  }
.LBB2_1:
0x22: {  	[tilespmem:s3], [sflag:$0x5] =	stream.linear.gather [hbm4b:s5+s3], $0x6400, $0x38;
	[tilespmem:$0x12C00] =	vst v63  }
0x23: {  	_ =	swait.ge [sflag:s7], $0x6400  }
0x24: {  	p0 =	por $0x0, $0x0;
	[sflag:s7] =	ssyncset.done $0x0  }
0x25: {  	s14 =	simm.s32 @p0 $0x3;
	[sflag:s7] =	ssyncadd.s32 $0xFFFF9C00  }
0x26: {  	_ =	swait.ge @p0 [sflag:s14], $0xC80  }
0x27: {  	[sflag:s14] =	ssyncset.done @p0 $0x0  }
0x28: {  	[sflag:s14] =	ssyncadd.s32 @p0 $0xFFFFF380  }
0x29: {  	_ =	swait.ge @p0 [sflag:s14], $0xC80  }
0x2a: {  	[sflag:s14] =	ssyncset.done @p0 $0x0  }
0x2b: {  	[sflag:s14] =	ssyncadd.s32 @p0 $0xFFFFF380  }
0x2c: {  	_ =	swait.ge @p0 [sflag:s14], $0xC80  }
0x2d: {  	[sflag:s14] =	ssyncset.done @p0 $0x0  }
0x2e: {  	[sflag:s14] =	ssyncadd.s32 @p0 $0xFFFFF380  }
0x2f: {  	_ =	swait.ge @p0 [sflag:s14], $0xC80  }
0x30: {  	[sflag:s14] =	ssyncset.done @p0 $0x0  }
0x31: {  	[sflag:s14] =	ssyncadd.s32 @p0 $0xFFFFF380  }
0x32: {  	_ =	swait.ge @p0 [sflag:s14], $0xC80  }
0x33: {  	[sflag:s14] =	ssyncset.done @p0 $0x0  }
0x34: {  	[sflag:s14] =	ssyncadd.s32 @p0 $0xFFFFF380  }
0x35: {  	_ =	swait.ge @p0 [sflag:s14], $0xC80  }
0x36: {  	[sflag:s14] =	ssyncset.done @p0 $0x0  }
0x37: {  	[sflag:s14] =	ssyncadd.s32 @p0 $0xFFFFF380  }
0x38: {  	_ =	swait.ge @p0 [sflag:s14], $0xC80  }
0x39: {  	[sflag:s14] =	ssyncset.done @p0 $0x0  }
0x3a: {  	[sflag:s14] =	ssyncadd.s32 @p0 $0xFFFFF380  }
0x3b: {  	_ =	swait.ge @p0 [sflag:s14], $0xC80  }
0x3c: {  	s15 =	simm.s32 @p0 $0x4;
	[sflag:s14] =	ssyncset.done @p0 $0x0  }
0x3d: {  	s16 =	simm.s32 @p0 $0x6400;
	[sflag:s14] =	ssyncadd.s32 @p0 $0xFFFFF380;
	s14 =	simm.s32 @p0 $0x190  }
0x3e: {  	[tilespmem:s16], [sflag:$0x1] =	stream.indirect.gather @p0 [hbm4b:s4+s14], $0x40, s3, s14, $0xb8;
	[tilespmem:$0x12C00] =	vst v63  }
0x3f: {  	_ =	swait.ge @p0 [sflag:s15], $0xC80  }
0x40: {  	[sflag:s15] =	ssyncset.done @p0 $0x0  }
0x41: {  	[sflag:s15] =	ssyncadd.s32 @p0 $0xFFFFF380  }
0x42: {  	_ =	swait.ge @p0 [sflag:s15], $0xC80  }
0x43: {  	[sflag:s15] =	ssyncset.done @p0 $0x0  }
0x44: {  	[sflag:s15] =	ssyncadd.s32 @p0 $0xFFFFF380  }
0x45: {  	_ =	swait.ge @p0 [sflag:s15], $0xC80  }
0x46: {  	[sflag:s15] =	ssyncset.done @p0 $0x0  }
0x47: {  	[sflag:s15] =	ssyncadd.s32 @p0 $0xFFFFF380  }
0x48: {  	_ =	swait.ge @p0 [sflag:s15], $0xC80  }
0x49: {  	[sflag:s15] =	ssyncset.done @p0 $0x0  }
0x4a: {  	[sflag:s15] =	ssyncadd.s32 @p0 $0xFFFFF380  }
0x4b: {  	_ =	swait.ge @p0 [sflag:s15], $0xC80  }
0x4c: {  	[sflag:s15] =	ssyncset.done @p0 $0x0  }
0x4d: {  	[sflag:s15] =	ssyncadd.s32 @p0 $0xFFFFF380  }
0x4e: {  	_ =	swait.ge @p0 [sflag:s15], $0xC80  }
0x4f: {  	[sflag:s15] =	ssyncset.done @p0 $0x0  }
0x50: {  	[sflag:s15] =	ssyncadd.s32 @p0 $0xFFFFF380  }
0x51: {  	_ =	swait.ge @p0 [sflag:s15], $0xC80  }
0x52: {  	[sflag:s15] =	ssyncset.done @p0 $0x0  }
0x53: {  	[sflag:s15] =	ssyncadd.s32 @p0 $0xFFFFF380  }
0x54: {  	s17 =	simm.s32 @!p0 $0x0;
	s14 =	simm.s32 $0x1;
	_ =	swait.ge @p0 [sflag:s15], $0xC80  }
0x55: {  	s18 =	simm.s32 @!p0 $0x6400;
	s14 =	simm.s32 @!p0 $0x1;
	[sflag:s15] =	ssyncset.done @p0 $0x0  }
0x56: {  	s30 =	smul.u32 $0x640, s14;
	[sflag:s15] =	ssyncadd.s32 @p0 $0xFFFFF380;
	s15 =	simm.s32 @!p0 $0x190  }
0x57: {  	[tilespmem:s18], [sflag:$0x1] =	stream.indirect.gather @!p0 [hbm4b:s4+s15], $0x40, s17, s15, $0xb8;
	[tilespmem:$0x12C00] =	vst v63  }
0x58: {  	s31 =	sshra.s32 s30, $0x2;
	s19 =	rddreg [dreg:$0xc]  }
0x59: {  	[tilespmem:s8], [sflag:$0x2] =	stream.indirect.gather [hbm4b:s4+s19], $0x40, s31, s19, $0xb8;
	[tilespmem:$0x12C00] =	vst v63  }
0x5a: {  	_ =	swait.ge [sflag:s9], $0x6400  }
0x5b: {  	s16 =	rddreg [dreg:$0x8]  }
0x5c: {  	s25 =	rddreg [dreg:$0x5]  }
0x5d: {  	s26 =	rddreg [dreg:$0x9]  }
0x5e: {  	s28 =	rddreg [dreg:$0xa]  }
0x5f: {  	s29 =	rddreg [dreg:$0xd]  }
0x60: {  	s20 =	rddreg [dreg:$0xb]  }
0x61: {  	s21 =	rddreg [dreg:$0xe]  }
0x62: {  	s22 =	rddreg [dreg:$0xf];
	[sflag:s9] =	ssyncset.done $0x0  }
0x63: {  	s23 =	rddreg [dreg:$0x7];
	[sflag:s9] =	ssyncadd.s32 $0xFFFF9C00;
	s20 =	sadd.s32 $0x0, s20  }
0x64: {  	[hbm4b:s20+s3] =	stream.linear.scatter [tilespmem:s29], [sflag:$0x3], $0xC80, $0x38;
	[tilespmem:$0x12C00] =	vst v63  }
0x65: {  	s24 =	rddreg [dreg:$0x10];
	s18 =	sadd.s32 $0x0, s28  }
0x66: {  	[hbm4b:s18+s3] =	stream.linear.scatter [tilespmem:s21], [sflag:$0x3], $0xC80, $0x38;
	[tilespmem:$0x12C00] =	vst v63  }
0x67: {  	s30 =	rddreg [dreg:$0x6];
	s17 =	sadd.s32 $0x0, s26  }
0x68: {  	[hbm4b:s17+s3] =	stream.linear.scatter [tilespmem:s22], [sflag:$0x3], $0xC80, $0x38;
	[tilespmem:$0x12C00] =	vst v63  }
0x69: {  	s31 =	rddreg [dreg:$0x11];
	s15 =	sadd.s32 $0x0, s16  }
0x6a: {  	[hbm4b:s15+s3] =	stream.linear.scatter [tilespmem:s24], [sflag:$0x3], $0xC80, $0x38;
	[tilespmem:$0x12C00] =	vst v63  }
0x6b: {  	s20 =	rddreg [dreg:$0x12];
	s21 =	sadd.s32 $0x0, s23  }
0x6c: {  	[hbm4b:s21+s3] =	stream.linear.scatter [tilespmem:s31], [sflag:$0x3], $0xC80, $0x38;
	[tilespmem:$0x12C00] =	vst v63  }
0x6d: {  	s23 =	sadd.s32 $0x0, s30;
	s22 =	rddreg [dreg:$0x4]  }
0x6e: {  	[hbm4b:s23+s3] =	stream.linear.scatter [tilespmem:s20], [sflag:$0x3], $0xC80, $0x38;
	[tilespmem:$0x12C00] =	vst v63  }
0x6f: {  	s25 =	sadd.s32 $0x0, s25;
	s24 =	rddreg [dreg:$0x13]  }
0x70: {  	[hbm4b:s25+s3] =	stream.linear.scatter [tilespmem:s24], [sflag:$0x3], $0xC80, $0x38;
	[tilespmem:$0x12C00] =	vst v63  }
0x71: {  	s26 =	rddreg [dreg:$0x14];
	s28 =	sadd.s32 $0x0, s22  }
0x72: {  	[hbm4b:s28+s3] =	stream.linear.scatter [tilespmem:s26], [sflag:$0x3], $0xC80, $0x38;
	[tilespmem:$0x12C00] =	vst v63  }
0x73: {  	_ =	swait.ge [sflag:s10], $0x6400  }
0x74: {  	s14 =	sshll.u32 s14, $0x3;
	s29 =	rddreg [dreg:$0x3]  }
0x75: {  	s30 =	rddreg [dreg:$0x15];
	s14 =	sadd.s32 s29, s14  }
0x76: {  	s19 =	rddreg [dreg:$0x18];
	s15 =	smul.u32 $0x190, s14  }
0x77: {  	s17 =	rddreg [dreg:$0x16];
	s14 =	smul.u32 $0xC80, s14  }
0x78: {  	s16 =	simm.s32 $0x3;
	[sflag:s10] =	ssyncset.done $0x0;
	s21 =	rddreg [dreg:$0x17]  }
0x79: {  	[sflag:s10] =	ssyncadd.s32 $0xFFFF9C00;
	s15 =	sadd.s32 s2, s15;
	s14 =	sshrl.u32 s14, $0x3  }
0x7a: {  	[hbm4b:s15+s3] =	stream.linear.scatter [tilespmem:s8], [sflag:$0x4], $0xC80, $0x38;
	[tilespmem:$0x12C00] =	vst v63  }
0x7b: {  	s18 =	sadd.s32 s2, s14;
	s14 =	simm.s32 $0x1900;
	s15 =	simm.s32 $0x320  }
0x7c: {  	s31 =	sadd.s32 $0x190, s18;
	s20 =	sadd.s32 $0x4B0, s18;
	s22 =	sadd.s32 $0x320, s18  }
0x7d: {  	[hbm4b:s31+s3] =	stream.linear.scatter [tilespmem:s30], [sflag:$0x4], $0xC80, $0x38;
	[tilespmem:$0x12C00] =	vst v63  }
.LBB2_2:
0x7e: {  	[hbm4b:s22+s3] =	stream.linear.scatter [tilespmem:s17], [sflag:$0x4], $0xC80, $0x38;
	[tilespmem:$0x12C00] =	vst v63  }
0x7f: {  	_ = 	snop  }
0x80: {  	[hbm4b:s20+s3] =	stream.linear.scatter [tilespmem:s21], [sflag:$0x4], $0xC80, $0x38;
	[tilespmem:$0x12C00] =	vst v63  }
0x81: {  	s29 =	sadd.s32 $0x640, s18  }
0x82: {  	[hbm4b:s29+s3] =	stream.linear.scatter [tilespmem:s19], [sflag:$0x4], $0xC80, $0x38;
	[tilespmem:$0x12C00] =	vst v63  }
0x83: {  	s17 =	smov.u32 s14;
	s23 =	rddreg [dreg:$0x19];
	s30 =	sadd.s32 $0x7D0, s18  }
0x84: {  	[hbm4b:s30+s3] =	stream.linear.scatter [tilespmem:s23], [sflag:$0x4], $0xC80, $0x38;
	[tilespmem:$0x12C00] =	vst v63  }
0x85: {  	s31 =	rddreg [dreg:$0x1a];
	s22 =	sadd.s32 $0x960, s18;
	p1 =	sne.s32 s17, $0x0  }
0x86: {  	[hbm4b:s22+s3] =	stream.linear.scatter [tilespmem:s31], [sflag:$0x4], $0xC80, $0x38;
	[tilespmem:$0x12C00] =	vst v63  }
0x87: {  	s24 =	rddreg [dreg:$0x1b];
	s25 =	sadd.s32 $0xAF0, s18;
	s20 =	simm.s32 @p1 $0x3  }
0x88: {  	[hbm4b:s25+s3] =	stream.linear.scatter [tilespmem:s24], [sflag:$0x4], $0xC80, $0x38;
	[tilespmem:$0x12C00] =	vst v63  }
0x89: {  	_ =	swait.ge @p1 [sflag:s20], $0xC80  }
0x8a: {  	[sflag:s20] =	ssyncset.done @p1 $0x0  }
0x8b: {  	[sflag:s20] =	ssyncadd.s32 @p1 $0xFFFFF380  }
0x8c: {  	_ =	swait.ge @p1 [sflag:s20], $0xC80  }
0x8d: {  	[sflag:s20] =	ssyncset.done @p1 $0x0  }
0x8e: {  	[sflag:s20] =	ssyncadd.s32 @p1 $0xFFFFF380  }
0x8f: {  	_ =	swait.ge @p1 [sflag:s20], $0xC80  }
0x90: {  	[sflag:s20] =	ssyncset.done @p1 $0x0  }
0x91: {  	[sflag:s20] =	ssyncadd.s32 @p1 $0xFFFFF380  }
0x92: {  	_ =	swait.ge @p1 [sflag:s20], $0xC80  }
0x93: {  	[sflag:s20] =	ssyncset.done @p1 $0x0  }
0x94: {  	[sflag:s20] =	ssyncadd.s32 @p1 $0xFFFFF380  }
0x95: {  	_ =	swait.ge @p1 [sflag:s20], $0xC80  }
0x96: {  	[sflag:s20] =	ssyncset.done @p1 $0x0  }
0x97: {  	[sflag:s20] =	ssyncadd.s32 @p1 $0xFFFFF380  }
0x98: {  	_ =	swait.ge @p1 [sflag:s20], $0xC80  }
0x99: {  	[sflag:s20] =	ssyncset.done @p1 $0x0  }
0x9a: {  	[sflag:s20] =	ssyncadd.s32 @p1 $0xFFFFF380  }
0x9b: {  	_ =	swait.ge @p1 [sflag:s20], $0xC80  }
0x9c: {  	[sflag:s20] =	ssyncset.done @p1 $0x0  }
0x9d: {  	[sflag:s20] =	ssyncadd.s32 @p1 $0xFFFFF380  }
0x9e: {  	_ =	swait.ge @p1 [sflag:s20], $0xC80  }
0x9f: {  	s21 =	simm.s32 @p1 $0x4;
	[sflag:s20] =	ssyncset.done @p1 $0x0  }
0xa0: {  	s22 =	simm.s32 @p1 $0x6400;
	[sflag:s20] =	ssyncadd.s32 @p1 $0xFFFFF380;
	s20 =	simm.s32 @p1 $0x190  }
0xa1: {  	[tilespmem:s22], [sflag:$0x1] =	stream.indirect.gather @p1 [hbm4b:s4+s20], $0x40, s15, s20, $0xb8;
	[tilespmem:$0x12C00] =	vst v63  }
0xa2: {  	_ =	swait.ge @p1 [sflag:s21], $0xC80  }
0xa3: {  	[sflag:s21] =	ssyncset.done @p1 $0x0  }
0xa4: {  	[sflag:s21] =	ssyncadd.s32 @p1 $0xFFFFF380  }
0xa5: {  	_ =	swait.ge @p1 [sflag:s21], $0xC80  }
0xa6: {  	[sflag:s21] =	ssyncset.done @p1 $0x0  }
0xa7: {  	[sflag:s21] =	ssyncadd.s32 @p1 $0xFFFFF380  }
0xa8: {  	_ =	swait.ge @p1 [sflag:s21], $0xC80  }
0xa9: {  	[sflag:s21] =	ssyncset.done @p1 $0x0  }
0xaa: {  	[sflag:s21] =	ssyncadd.s32 @p1 $0xFFFFF380  }
0xab: {  	_ =	swait.ge @p1 [sflag:s21], $0xC80  }
0xac: {  	[sflag:s21] =	ssyncset.done @p1 $0x0  }
0xad: {  	[sflag:s21] =	ssyncadd.s32 @p1 $0xFFFFF380  }
0xae: {  	_ =	swait.ge @p1 [sflag:s21], $0xC80  }
0xaf: {  	[sflag:s21] =	ssyncset.done @p1 $0x0  }
0xb0: {  	[sflag:s21] =	ssyncadd.s32 @p1 $0xFFFFF380  }
0xb1: {  	_ =	swait.ge @p1 [sflag:s21], $0xC80  }
0xb2: {  	[sflag:s21] =	ssyncset.done @p1 $0x0  }
0xb3: {  	[sflag:s21] =	ssyncadd.s32 @p1 $0xFFFFF380  }
0xb4: {  	_ =	swait.ge @p1 [sflag:s21], $0xC80  }
0xb5: {  	[sflag:s21] =	ssyncset.done @p1 $0x0  }
0xb6: {  	s18 =	smov.u32 s16;
	[sflag:s21] =	ssyncadd.s32 @p1 $0xFFFFF380  }
0xb7: {  	s18 =	simm.s32 @!p1 $0x1;
	_ =	swait.ge @p1 [sflag:s21], $0xC80  }
0xb8: {  	s26 =	smul.u32 $0x640, s18;
	s20 =	simm.s32 @!p1 $0x0;
	[sflag:s21] =	ssyncset.done @p1 $0x0  }
0xb9: {  	s22 =	simm.s32 @!p1 $0x6400;
	[sflag:s21] =	ssyncadd.s32 @p1 $0xFFFFF380;
	s21 =	simm.s32 @!p1 $0x190  }
0xba: {  	[tilespmem:s22], [sflag:$0x1] =	stream.indirect.gather @!p1 [hbm4b:s4+s21], $0x40, s20, s21, $0xb8;
	[tilespmem:$0x12C00] =	vst v63  }
0xbb: {  	s19 =	sshra.s32 s26, $0x2;
	s28 =	rddreg [dreg:$0xc]  }
0xbc: {  	[tilespmem:s8], [sflag:$0x2] =	stream.indirect.gather [hbm4b:s4+s28], $0x40, s19, s28, $0xb8;
	[tilespmem:$0x12C00] =	vst v63  }
0xbd: {  	_ =	swait.ge [sflag:s9], $0x6400  }
0xbe: {  	s19 =	rddreg [dreg:$0x8]  }
0xbf: {  	s20 =	rddreg [dreg:$0x5]  }
0xc0: {  	s29 =	rddreg [dreg:$0x9]  }
0xc1: {  	s30 =	rddreg [dreg:$0xa]  }
0xc2: {  	s31 =	rddreg [dreg:$0xd]  }
0xc3: {  	s24 =	rddreg [dreg:$0xb]  }
0xc4: {  	s25 =	rddreg [dreg:$0xe]  }
0xc5: {  	[sflag:s9] =	ssyncset.done $0x0;
	s26 =	rddreg [dreg:$0xf]  }
0xc6: {  	s28 =	rddreg [dreg:$0x7];
	[sflag:s9] =	ssyncadd.s32 $0xFFFF9C00;
	s24 =	sadd.s32 s17, s24  }
0xc7: {  	[hbm4b:s24+s3] =	stream.linear.scatter [tilespmem:s31], [sflag:$0x3], $0xC80, $0x38;
	[tilespmem:$0x12C00] =	vst v63  }
0xc8: {  	s21 =	sadd.s32 s17, s29;
	s29 =	rddreg [dreg:$0x10];
	s22 =	sadd.s32 s17, s30  }
0xc9: {  	[hbm4b:s22+s3] =	stream.linear.scatter [tilespmem:s25], [sflag:$0x3], $0xC80, $0x38;
	[tilespmem:$0x12C00] =	vst v63  }
0xca: {  	s24 =	rddreg [dreg:$0x6]  }
0xcb: {  	[hbm4b:s21+s3] =	stream.linear.scatter [tilespmem:s26], [sflag:$0x3], $0xC80, $0x38;
	[tilespmem:$0x12C00] =	vst v63  }
0xcc: {  	s19 =	sadd.s32 s17, s19;
	s31 =	rddreg [dreg:$0x4]  }
0xcd: {  	[hbm4b:s19+s3] =	stream.linear.scatter [tilespmem:s29], [sflag:$0x3], $0xC80, $0x38;
	[tilespmem:$0x12C00] =	vst v63  }
0xce: {  	s25 =	rddreg [dreg:$0x11];
	s26 =	sadd.s32 s17, s28  }
0xcf: {  	[hbm4b:s26+s3] =	stream.linear.scatter [tilespmem:s25], [sflag:$0x3], $0xC80, $0x38;
	[tilespmem:$0x12C00] =	vst v63  }
0xd0: {  	s30 =	sadd.s32 s17, s24;
	s28 =	rddreg [dreg:$0x12]  }
0xd1: {  	[hbm4b:s30+s3] =	stream.linear.scatter [tilespmem:s28], [sflag:$0x3], $0xC80, $0x38;
	[tilespmem:$0x12C00] =	vst v63  }
0xd2: {  	s22 =	rddreg [dreg:$0x13];
	s25 =	sadd.s32 s17, s20  }
0xd3: {  	[hbm4b:s25+s3] =	stream.linear.scatter [tilespmem:s22], [sflag:$0x3], $0xC80, $0x38;
	[tilespmem:$0x12C00] =	vst v63  }
0xd4: {  	s26 =	rddreg [dreg:$0x14];
	s17 =	sadd.s32 s17, s31  }
0xd5: {  	[hbm4b:s17+s3] =	stream.linear.scatter [tilespmem:s26], [sflag:$0x3], $0xC80, $0x38;
	[tilespmem:$0x12C00] =	vst v63  }
0xd6: {  	_ =	swait.ge [sflag:s10], $0x6400  }
0xd7: {  	s18 =	sshll.u32 s18, $0x3;
	s28 =	rddreg [dreg:$0x3]  }
0xd8: {  	s14 =	sadd.s32 $0x1900, s14;
	s17 =	sadd.s32 s28, s18  }
0xd9: {  	s16 =	sadd.s32 $0x2, s16;
	s19 =	rddreg [dreg:$0x18];
	s18 =	smul.u32 $0x190, s17  }
0xda: {  	p0 =	sne.s32 s14, $0x32000;
	s30 =	rddreg [dreg:$0x15];
	s17 =	smul.u32 $0xC80, s17  }
0xdb: {  	s15 =	sadd.s32 $0x320, s15;
	[sflag:s10] =	ssyncset.done $0x0;
	s21 =	rddreg [dreg:$0x17]  }
.Ltmp0:
0xdc: {  	[sflag:s10] =	ssyncadd.s32 $0xFFFF9C00;
	s17 =	sshrl.u32 s17, $0x3;
	(pc) =	sbr.rel @p0 .LBB2_2-.Ltmp0, $4  }
0xdd: {  	s29 =	sadd.s32 s2, s18;
	s18 =	sadd.s32 s2, s17;
	s17 =	rddreg [dreg:$0x16]  }
0xde: {  	[hbm4b:s29+s3] =	stream.linear.scatter [tilespmem:s8], [sflag:$0x4], $0xC80, $0x38;
	[tilespmem:$0x12C00] =	vst v63  }
0xdf: {  	s31 =	sadd.s32 $0x190, s18;
	s20 =	sadd.s32 $0x4B0, s18;
	s22 =	sadd.s32 $0x320, s18  }
0xe0: {  	[hbm4b:s31+s3] =	stream.linear.scatter [tilespmem:s30], [sflag:$0x4], $0xC80, $0x38;
	[tilespmem:$0x12C00] =	vst v63  }
0xe1: {  	[hbm4b:s22+s3] =	stream.linear.scatter [tilespmem:s17], [sflag:$0x4], $0xC80, $0x38;
	[tilespmem:$0x12C00] =	vst v63  }
0xe2: {  	_ = 	snop  }
0xe3: {  	[hbm4b:s20+s3] =	stream.linear.scatter [tilespmem:s21], [sflag:$0x4], $0xC80, $0x38;
	[tilespmem:$0x12C00] =	vst v63  }
0xe4: {  	s14 =	sadd.s32 $0x640, s18  }
0xe5: {  	[hbm4b:s14+s3] =	stream.linear.scatter [tilespmem:s19], [sflag:$0x4], $0xC80, $0x38;
	[tilespmem:$0x12C00] =	vst v63  }
0xe6: {  	s15 =	rddreg [dreg:$0x19];
	s28 =	sadd.s32 $0x7D0, s18  }
0xe7: {  	[hbm4b:s28+s3] =	stream.linear.scatter [tilespmem:s15], [sflag:$0x4], $0xC80, $0x38;
	[tilespmem:$0x12C00] =	vst v63  }
0xe8: {  	s16 =	rddreg [dreg:$0x1a];
	s29 =	sadd.s32 $0x960, s18  }
0xe9: {  	[hbm4b:s29+s3] =	stream.linear.scatter [tilespmem:s16], [sflag:$0x4], $0xC80, $0x38;
	[tilespmem:$0x12C00] =	vst v63  }
0xea: {  	s30 =	rddreg [dreg:$0x1b];
	s31 =	sadd.s32 $0xAF0, s18  }
0xeb: {  	[hbm4b:s31+s3] =	stream.linear.scatter [tilespmem:s30], [sflag:$0x4], $0xC80, $0x38;
	[tilespmem:$0x12C00] =	vst v63  }
0xec: {  	_ =	swait.ge [sflag:s11], $0xC80  }
0xed: {  	[sflag:s11] =	ssyncset.done $0x0  }
0xee: {  	[sflag:s11] =	ssyncadd.s32 $0xFFFFF380  }
0xef: {  	_ =	swait.ge [sflag:s11], $0xC80  }
0xf0: {  	[sflag:s11] =	ssyncset.done $0x0  }
0xf1: {  	[sflag:s11] =	ssyncadd.s32 $0xFFFFF380  }
0xf2: {  	_ =	swait.ge [sflag:s11], $0xC80  }
0xf3: {  	[sflag:s11] =	ssyncset.done $0x0  }
0xf4: {  	[sflag:s11] =	ssyncadd.s32 $0xFFFFF380  }
0xf5: {  	_ =	swait.ge [sflag:s11], $0xC80  }
0xf6: {  	[sflag:s11] =	ssyncset.done $0x0  }
0xf7: {  	[sflag:s11] =	ssyncadd.s32 $0xFFFFF380  }
0xf8: {  	_ =	swait.ge [sflag:s11], $0xC80  }
0xf9: {  	[sflag:s11] =	ssyncset.done $0x0  }
0xfa: {  	[sflag:s11] =	ssyncadd.s32 $0xFFFFF380  }
0xfb: {  	_ =	swait.ge [sflag:s11], $0xC80  }
0xfc: {  	[sflag:s11] =	ssyncset.done $0x0  }
0xfd: {  	[sflag:s11] =	ssyncadd.s32 $0xFFFFF380  }
0xfe: {  	_ =	swait.ge [sflag:s11], $0xC80  }
0xff: {  	[sflag:s11] =	ssyncset.done $0x0  }
0x100: {  	[sflag:s11] =	ssyncadd.s32 $0xFFFFF380  }
0x101: {  	_ =	swait.ge [sflag:s11], $0xC80  }
0x102: {  	[sflag:s11] =	ssyncset.done $0x0  }
0x103: {  	[sflag:s11] =	ssyncadd.s32 $0xFFFFF380  }
0x104: {  	_ =	swait.ge [sflag:s12], $0xC80  }
0x105: {  	[sflag:s12] =	ssyncset.done $0x0  }
0x106: {  	[sflag:s12] =	ssyncadd.s32 $0xFFFFF380  }
0x107: {  	_ =	swait.ge [sflag:s12], $0xC80  }
0x108: {  	[sflag:s12] =	ssyncset.done $0x0  }
0x109: {  	[sflag:s12] =	ssyncadd.s32 $0xFFFFF380  }
0x10a: {  	_ =	swait.ge [sflag:s12], $0xC80  }
0x10b: {  	[sflag:s12] =	ssyncset.done $0x0  }
0x10c: {  	[sflag:s12] =	ssyncadd.s32 $0xFFFFF380  }
0x10d: {  	_ =	swait.ge [sflag:s12], $0xC80  }
0x10e: {  	[sflag:s12] =	ssyncset.done $0x0  }
0x10f: {  	[sflag:s12] =	ssyncadd.s32 $0xFFFFF380  }
0x110: {  	_ =	swait.ge [sflag:s12], $0xC80  }
0x111: {  	[sflag:s12] =	ssyncset.done $0x0  }
0x112: {  	[sflag:s12] =	ssyncadd.s32 $0xFFFFF380  }
0x113: {  	_ =	swait.ge [sflag:s12], $0xC80  }
0x114: {  	[sflag:s12] =	ssyncset.done $0x0  }
0x115: {  	s13 =	sadd.s32 $0x1, s13;
	[sflag:s12] =	ssyncadd.s32 $0xFFFFF380  }
0x116: {  	p0 =	sne.s32 s13, s6;
	_ =	swait.ge [sflag:s12], $0xC80  }
.Ltmp1:
0x117: {  	[sflag:s12] =	ssyncset.done $0x0;
	(pc) =	sbr.rel @p0 .LBB2_1-.Ltmp1, $4  }
0x118: {  	[sflag:s12] =	ssyncadd.s32 $0xFFFFF380  }
0x119: {  	_ =	swait.ge [sflag:s12], $0xC80  }
0x11a: {  	[sflag:s12] =	ssyncset.done $0x0  }
0x11b: {  	[sflag:s12] =	ssyncadd.s32 $0xFFFFF380  }
0x11c: {  	_ =	sfence.sel $0x180000  }
0x11d: {  	[bflag:$0x0] =	sbarrier.arrive $0xFFFF  }
0x11e: {  	p0 =	sne.s32 s0, $0x0;
	_ =	strace $0x90000047  }
0x11f: {  	s0 =	sadd.s32 @!p0 $0x100000, s1;
	[bflag:$0x2] =	sbarrier.arrive $0xFFFF  }
0x120: {  	[sflag:s0] =	ssyncadd.tile.s32 @!p0 $0x1;
	_ =	shalt  }
.Lfunc_end2:
_tile_overlayer_lowered:
.L_overlay_start_2:
0x121: {  	(tag) =	ssettag $0x2  }
0x122: {  	s0 =	rddreg [dreg:$0x0];
	s2 =	stileid.u32  }
0x123: {  	s1 =	rddreg [dreg:$0x1];
	p0 =	sne.s32 s2, $0x0  }
0x124: {  	s3 =	rddreg [dreg:$0x2];
	[bflag:$0x3] =	sbarrier.arrive $0xFFFF;
	s2 =	simm.s32 @!p0 $0x1C05  }
0x125: {  	[timem:s3], [sflag:s2] =	dma.local @!p0 [hbm:s0], s1  }
0x126: {  	s0 =	simm.s32 @!p0 $0x5  }
0x127: {  	_ =	swait.ge @!p0 [sflag:s0], s1  }
0x128: {  	s1 =	ssub.s32 @!p0 $0x0, s1;
	[sflag:s0] =	ssyncset.done @!p0 $0x0  }
0x129: {  	[sflag:s0] =	ssyncadd.s32 @!p0 s1  }
0x12a: {  	[bflag:$0x3] =	sbarrier.arrive $0xFFFF  }
0x12b: {  	_ =	shalt  }

// kernel: sparse-core-data-format-call.cloned.1.call-start
scs
called_computation_lowered:
.L_overlay_start_0:
0x0: {  	s2 =	sld [smem:$0x3FD9]  }
0x1: {  	s3 =	sld [smem:$0x3FFE];
	_ =	sdelay $0x1  }
0x2: {  	s1 =	srdreg.scid  }
0x3: {  	s0 =	sand.u32 $0x1, s1  }
0x4: {  	s18 =	sshll.u32 s0, $0xA;
	s2 =	sadd.s32 s3, s2  }
0x5: {  	s2 =	sadd.s32 s2, s18  }
0x6: {  	[smem:$0x3FC6] =	sst s2  }
0x7: {  	_ = 	snop  }
0x8: {  	s2 =	sld [smem:$0x3FD0];
	(tm) =	ssettm $0x1  }
0x9: {  	s19 =	sld [smem:$0x3FFB];
	_ =	sdelay $0x3  }
0xa: {  	_ =	strace s19  }
0xb: {  	s3 =	sld [smem:$0x3FFC];
	_ =	sdelay $0x3  }
0xc: {  	_ =	strace s3  }
0xd: {  	s3 =	sld [smem:$0x3FFD];
	_ =	sdelay $0x3  }
0xe: {  	_ =	strace s3  }
0xf: {  	_ =	strace $0x8FFFFFFF  }
0x10: {  	s20 =	sld [smem:$0x3FDB];
	_ =	sdelay $0x1  }
0x11: {  	s4 =	simm.s32 $_scs_section_size  }
0x12: {  	s5 =	simm.s32 $_size__tile_overlayer_lowered;
	s6 =	simm.s32 $_tile_overlayer_lowered  }
0x13: {  	s23 =	simm.s32 $0x1BFF;
	s22 =	sshll.u32 s6, $0x1;
	s3 =	sadd.s32 s4, s20  }
0x14: {  	s7 =	simm.s32 $0x0;
	s21 =	sshll.u32 s5, $0x1;
	s5 =	sadd.s32 s22, s3  }
0x15: {  	[timem:s7], [sflag:s23] =	dma.local [hbm:s5], s21  }
0x16: {  	_ =	swait.ge [sflag:s23], s21  }
0x17: {  	s4 =	ssub.s32 $0x0, s21;
	[sflag:s23] =	ssyncset.done $0x0  }
0x18: {  	[sflag:s23] =	ssyncadd.s32 s4;
	_ =	sdelay $0x1  }
0x19: {  	s24 =	simm.s32 $0x1B8B  }
0x1a: {  	_ =	swait.ge [sflag:s24], $0x1  }
0x1b: {  	[sflag:s24] =	ssyncset.done $0x0  }
0x1c: {  	s26 =	simm.s32 $0x1B8E;
	s25 =	sld [smem:$0x3FFE];
	[sflag:s24] =	ssyncadd.s32 $0xFFFFFFFF  }
0x1d: {  	s27 =	simm.s32 $execute0_lowered;
	[smem:$0x3FD2] =	sst s26  }
0x1e: {  	s5 =	sshll.u32 s27, $0x1;
	_ =	strace $0x80000049;
	[dreg:$0x1] =	wrdreg $0xFFFFFFFF  }
0x1f: {  	s28 =	simm.s32 $_size_execute0_lowered;
	s3 =	sadd.s32 s3, s5;
	[dreg:$0x0] =	wrdreg $0x0  }
0x20: {  	s5 =	sshll.u32 s28, $0x1;
	[dreg:$0x2] =	wrdreg s3  }
0x21: {  	[dreg:$0x3] =	wrdreg s5  }
0x22: {  	[dreg:$0x4] =	wrdreg $0xC0  }
0x23: {  	_ =	task [dreg:s7], $0x5FFFF  }
0x24: {  	[dreg:$0x1] =	wrdreg $0xFFFFFFFF  }
0x25: {  	[dreg:$0x0] =	wrdreg $0x60  }
0x26: {  	[dreg:$0x2] =	wrdreg s25  }
0x27: {  	[dreg:$0x3] =	wrdreg s2  }
0x28: {  	[dreg:$0x4] =	wrdreg $0x9  }
0x29: {  	_ =	task.clear_ibuf [dreg:s7], $0x5FFFF;
	_ =	strace $0x90000049  }
0x2a: {  	s29 =	simm.s32 $0x9;
	_ =	strace $0x8000004B  }
0x2b: {  	_ =	swait.ge [sflag:s29], $0x1  }
0x2c: {  	[sflag:s29] =	ssyncadd.s32 $0xFFFFFFFF  }
0x2d: {  	_ =	strace $0x9000004B  }
0x2e: {  	_ =	sfence  }
0x2f: {  	s30 =	sld [smem:$0x0];
	_ =	sdelay $0x2  }
0x30: {  	s31 =	sshll.u32 s1, $0xD;
	s1 =	sshrl.u32 s1, $0x2  }
0x31: {  	s3 =	sand.u32 $0x4000, s31;
	s1 =	sadd.s32 s1, s30  }
0x32: {  	s0 =	sor.u32 s3, s0;
	s1 =	sshll.u32 s1, $0x11  }
0x33: {  	s0 =	sor.u32 s1, s0  }
0x34: {  	s0 =	sadd.s32 $0x8F2B, s0  }
0x35: {  	[sflag:s0] =	ssyncadd.remote.s32 $0x1  }
0x36: {  	_ =	sfence.sel $0xFFFF  }
0x37: {  	[dreg:$0x0] =	wrdreg $0xFFFFFFFF;
	(pc) =	sbr.abs _section_cstart, $3  }
0x38: {  	[dreg:$0x1] =	wrdreg $0xFFFFFFFF  }
0x39: {  	_ =	task.clear_ibuf [dreg:s7], $0x2FFFF;
	_ =	strace $0x9FFFFFFF  }
0x3a: {  	(tm) =	ssettm $0x7FFFFFFF  }
0x3b: {  	_ =	shalt  }
tec
execute0_lowered:
.L_overlay_start_1:
0x0: {  	(tag) =	ssettag $0x1  }
0x1: {  	s0 =	srdreg.scid  }
0x2: {  	s1 =	sshll.u32 s0, $0x4  }
0x3: {  	s0 =	stileid.u32;
	s1 =	sand.u32 $0x10, s1  }
0x4: {  	s1 =	sor.u32 s0, s1  }
0x5: {  	s6 =	rddreg [dreg:$0x0];
	s4 =	simm.s32 $0x1;
	s2 =	sshll.u32 s1, $0x7  }
0x6: {  	s7 =	simm.s32 $0x2;
	s12 =	simm.s32 $0x0;
	s1 =	ssub.s32 $0x4000, s2  }
0x7: {  	s8 =	simm.s32 $0x20000;
	s13 =	simm.s32 $0x0;
	s3 =	sand.u32 $0xF80, s1  }
0x8: {  	s9 =	simm.s32 $0x0;
	s5 =	sshrl.u32 s1, $0xC;
	p0 =	sne.s32 s3, $0x0  }
.Ltmp0:
0x9: {  	s1 =	rddreg [dreg:$0x2];
	s4 =	simm.s32 @!p0 $0x0;
	(pc) =	sbr.rel .LBB1_1-.Ltmp0, $4  }
0xa: {  	s11 =	simm.s32 $0x0;
	s3 =	rddreg [dreg:$0x1];
	s5 =	sadd.s32 s4, s5  }
0xb: {  	_ =	strace $0x8000004A;
	s4 =	simm.s32 $0x1;
	s5 =	smul.u32 $0x32, s5  }
0xc: {  	s6 =	sadd.s32 $0xA00, s6;
	s10 =	smov.u32 s2;
	[sflag:s4] =	ssyncpa.u1 $0x0  }
0xd: {  	p0 =	por $0x0, $0x0;
	[sflag:s7] =	ssyncpa.u1 $0x0;
	s7 =	sor.u32 $0x1, s5  }
.LBB1_4:
0xe: {  	s16 =	sshll.u32 s13, $0x3;
	s17 =	sand.u32 $0x78, s13  }
0xf: {  	s30 =	sand.u32 $0x1F800, s13;
	s12 =	sshll.u32 s12, $0x11;
	s16 =	sand.u32 $0x3C00, s16  }
0x10: {  	[tilespmem:s15+$0x810 ss:$0x81] =	vst.msk $0xffff, v2;
	s31 =	sand.u32 $0x7, s13;
	s16 =	sor.u32 s17, s16;
	s17 =	sadd.s32 s3, s30  }
0x11: {  	[tilespmem:s15+$0x1020 ss:$0x81] =	vst.msk $0xffff, v0;
	s13 =	sshll.u32 s31, $0x12;
	s12 =	sadd.s32 s12, s17;
	s16 =	sshrl.u32 s16, $0x3  }
0x12: {  	[tilespmem:s15+$0x0 ss:$0x81] =	vst.msk $0xffff, v1;
	s13 =	sor.u32 $0x400, s13;
	s12 =	sadd.s32 s16, s12  }
0x13: {  	[hbm4b:s12+s13] =	stream.strided.scatter [tilespmem:s14], [sflag:$0x2], $0x2000, s8, s13, $0x20;
	[tilespmem:$0x8080] =	vst v63  }
.LBB1_5:
0x14: {  	s14 =	sadd.s32 $0x1, s9  }
0x15: {  	s12 =	sadd.s32 $0x1000, s10;
	s16 =	smov.u32 s10;
	p2 =	sgt.s32 s14, $0x31  }
0x16: {  	s16 =	smov.u32 @p2 s12  }
0x17: {  	s14 =	simm.s32 @p2 $0x0;
	p2 =	sgt.s32 s16, $0x3FFF  }
0x18: {  	s16 =	smov.u32 @p2 s2;
	p2 =	sne.s32 s11, s7  }
.Ltmp1:
0x19: {  	p1 =	slt.u32 s11, $0x2;
	(pc) =	sbr.rel @!p2 .LBB1_6-.Ltmp1, $4  }
0x1a: {  	s15 =	simm.s32 @!p1 $0x2  }
0x1b: {  	s13 =	smov.u32 s10;
	p0 =	por !p0, !p0;
	_ =	swait.ge @!p1 [sflag:s15], $0x2000  }
0x1c: {  	s12 =	smov.u32 s9;
	[sflag:s15] =	ssyncset.done @!p1 $0x0;
	s9 =	smov.u32 s14  }
0x1d: {  	s11 =	sadd.s32 $0x1, s11;
	[sflag:s15] =	ssyncadd.s32 @!p1 $0xFFFFE000;
	s10 =	smov.u32 s16  }
.LBB1_1:
0x1e: {  	p1 =	sge.u32 s11, s5  }
0x1f: {  	s14 =	sand.u32 @!p1 $0x1FFFFFF, s9  }
0x20: {  	s15 =	smulhi.u32 @!p1 $0x4924925, s14;
	_ =	sdelay $0x1  }
0x21: {  	s15 =	smul.u32 @!p1 $0x38, s15  }
0x22: {  	s16 =	sxor.u32 @!p1 $0xFFFFFFFF, s11;
	s17 =	smul.u32 @!p1 $0x380, s10  }
0x23: {  	s31 =	sadd.s32 $0xFFFFFFFF, s11;
	s16 =	sshll.u32 @!p1 s16, $0xD;
	s14 =	ssub.s32 @!p1 s14, s15  }
0x24: {  	s15 =	sand.u32 @!p1 $0x2000, s16;
	s16 =	sadd.s32 @!p1 s6, s17;
	s14 =	sshll.u32 @!p1 s14, $0x4  }
0x25: {  	s17 =	simm.s32 @!p1 $0x1C00;
	s14 =	sadd.s32 @!p1 s14, s16;
	s16 =	simm.s32 @!p1 $0x40  }
0x26: {  	[tilespmem:s15], [sflag:$0x1] =	stream.strided.gather @!p1 [hbm4b:s14+s16], $0x2000, s17, s16, $0x38;
	[tilespmem:$0x8080] =	vst v63  }
0x27: {  	p1 =	sge.u32 s31, s5  }
.Ltmp2:
0x28: {  	_ = 	snop;
	(pc) =	sbr.rel @p1 .LBB1_5-.Ltmp2, $1  }
0x29: {  	_ =	sdelay $0x3  }
0x2a: {  	s14 =	simm.s32 $0x1  }
0x2b: {  	_ =	swait.ge [sflag:s4], $0x2000;
	s14 =	simm.s32 @!p0 $0x0  }
0x2c: {  	[sflag:s4] =	ssyncset.done $0x0;
	s15 =	sshll.u32 s14, $0xD  }
0x2d: {  	[sflag:s4] =	ssyncadd.s32 $0xFFFFE000;
	s18 =	sor.u32 $0x20, s15  }
0x2e: {  	s14 =	smul.u32 $0x8100, s14;
	v3 =	vld [tilespmem:s18+$0x10]  }
0x2f: {  	s30 =	sand.u32 $0x1, s11;
	v2 =	vld [tilespmem:s18+$0xFFFFFFF0]  }
0x30: {  	s15 =	smul.u32 $0x8100, s30;
	s14 =	sshrl.u32 s14, $0x2;
	v0 =	vld [tilespmem:s18+$0x0]  }
0x31: {  	v1 =	vld [tilespmem:s18+$0xFFFFFFE0];
	s16 =	sor.u32 $0x4000, s14  }
0x32: {  	s31 =	sshrl.u32 s15, $0x2;
	s15 =	sadd.s32 $0x0, s16  }
0x33: {  	s17 =	simm.s32 $0x4;
	s18 =	sadd.s32 $0x40, s18;
	s14 =	sor.u32 $0x4000, s31;
	[tilespmem:s15+$0x1830 ss:$0x81] =	vst.msk $0xffff, v3  }
.LBB1_3:
0x34: {  	v3 =	vld [tilespmem:s18+$0x10];
	p1 =	sne.s32 s17, $0x1FC;
	[tilespmem:s15+$0x810 ss:$0x81] =	vst.msk $0xffff, v2;
	s19 =	smov.u32 s17;
	s17 =	sadd.s32 $0x4, s17  }
.Ltmp3:
0x35: {  	v2 =	vld [tilespmem:s18+$0xFFFFFFF0];
	[tilespmem:s15+$0x1020 ss:$0x81] =	vst.msk $0xffff, v0;
	(pc) =	sbr.rel @p1 .LBB1_3-.Ltmp3, $4  }
0x36: {  	v0 =	vld [tilespmem:s18+$0x0];
	[tilespmem:s15+$0x0 ss:$0x81] =	vst.msk $0xffff, v1  }
0x37: {  	s15 =	sshra.s32 s19, $0x2;
	v1 =	vld [tilespmem:s18+$0xFFFFFFE0]  }
0x38: {  	s15 =	sadd.s32 s15, s16  }
0x39: {  	s18 =	sadd.s32 $0x40, s18;
	[tilespmem:s15+$0x1830 ss:$0x81] =	vst.msk $0xffff, v3  }
.Ltmp4:
0x3a: {  	_ = 	snop;
	(pc) =	sbr.rel .LBB1_4-.Ltmp4, $1  }
0x3b: {  	_ =	sdelay $0x3  }
.LBB1_6:
0x3c: {  	_ =	sfence.sel $0x180000  }
0x3d: {  	s2 =	simm.s32 $0x1;
	[bflag:$0x0] =	sbarrier.arrive $0xFFFF  }
0x3e: {  	s31 =	simm.s32 $0x2;
	[sflag:s2] =	ssyncpa.u1 $0x1  }
0x3f: {  	[sflag:s31] =	ssyncpa.u1 $0x1  }
0x40: {  	p0 =	sne.s32 s0, $0x0;
	_ =	strace $0x9000004A  }
0x41: {  	s0 =	sadd.s32 @!p0 $0x100000, s1;
	[bflag:$0x2] =	sbarrier.arrive $0xFFFF  }
0x42: {  	[sflag:s0] =	ssyncadd.tile.s32 @!p0 $0x1;
	_ =	shalt  }
.Lfunc_end1:
_tile_overlayer_lowered:
.L_overlay_start_2:
0x43: {  	(tag) =	ssettag $0x2  }
0x44: {  	s0 =	rddreg [dreg:$0x0];
	s2 =	stileid.u32  }
0x45: {  	s1 =	rddreg [dreg:$0x1];
	p0 =	sne.s32 s2, $0x0  }
0x46: {  	s3 =	rddreg [dreg:$0x2];
	[bflag:$0x3] =	sbarrier.arrive $0xFFFF;
	s2 =	simm.s32 @!p0 $0x1C01  }
0x47: {  	[timem:s3], [sflag:s2] =	dma.local @!p0 [hbm:s0], s1  }
0x48: {  	s0 =	simm.s32 @!p0 $0x1  }
0x49: {  	_ =	swait.ge @!p0 [sflag:s0], s1  }
0x4a: {  	s1 =	ssub.s32 @!p0 $0x0, s1;
	[sflag:s0] =	ssyncset.done @!p0 $0x0  }
0x4b: {  	[sflag:s0] =	ssyncadd.s32 @!p0 s1  }
0x4c: {  	[bflag:$0x3] =	sbarrier.arrive $0xFFFF  }
0x4d: {  	_ =	shalt  }

</sc_bundles>
